<compile_context>
chip_gen: v7x
topology: tpu7x:2x2x1
jax: 0.10.2.dev20260603
libtpu: 0.0.44.dev20260713+nightly
codegen_flags: <defaults>
</compile_context>

<pallas_src>
import functools

import jax
import jax.numpy as jnp
from jax import lax
from jax.experimental import pallas as pl
from jax.experimental.pallas import tpu as pltpu
from jax.experimental.pallas import tpu_sc as plsc

_N = 10000
_E = 160000
_DI = 32
_DO = 32
_DE = 16

_NC = 2
_NS = 16
_NW = _NC * _NS
_CH = 1250
_NCH = 4
_EPW = _CH * _NCH
_EPAD = _EPW * _NW
_ACC_N = _N

_mesh = plsc.VectorSubcoreMesh(
    core_axis_name="c", subcore_axis_name="s", num_cores=_NC, num_subcores=_NS
)


def _make_gather(epw, nch):
    total = epw * _NW

    @functools.partial(
        pl.kernel,
        out_type=jax.ShapeDtypeStruct((total, _DI), jnp.float32),
        mesh=_mesh,
        scratch_types=[
            pltpu.VMEM((nch, _CH), jnp.int32),
            pltpu.VMEM((_CH, _DI), jnp.float32),
            pltpu.SemaphoreType.DMA,
        ],
        compiler_params=pltpu.CompilerParams(use_tc_tiling_on_sc=False),
    )
    def _sc_gather(x_hbm, src_hbm, out_hbm, idx_v, rows_v, sem):
        cid = lax.axis_index("c")
        sid = lax.axis_index("s")
        wid = sid * _NC + cid
        pltpu.sync_copy(src_hbm.at[wid], idx_v)

        def body(c, _):
            pltpu.async_copy(x_hbm.at[idx_v.at[c]], rows_v, sem).wait()
            pltpu.sync_copy(rows_v, out_hbm.at[pl.ds(wid * epw + c * _CH, _CH)])
            return 0

        lax.fori_loop(0, nch, body, 0)

    return _sc_gather


def _make_scatter(epw, nch):
    @functools.partial(
        pl.kernel,
        out_type=jax.ShapeDtypeStruct((_NC, _ACC_N, _DO), jnp.float32),
        mesh=_mesh,
        scratch_types=[
            pltpu.VMEM((_CH,), jnp.int32),
            pltpu.VMEM((_CH, _DO), jnp.float32),
            pltpu.VMEM_SHARED((_ACC_N, _DO), jnp.float32),
        ],
        compiler_params=pltpu.CompilerParams(use_tc_tiling_on_sc=False),
    )
    def _sc_scatter(msg_hbm, dst_hbm, zeros_hbm, out_hbm, idx_v, msg_v, acc_sh):
        cid = lax.axis_index("c")
        sid = lax.axis_index("s")
        wid = sid * _NC + cid

        @pl.when(sid == 0)
        def _():
            pltpu.sync_copy(zeros_hbm, acc_sh)

        plsc.subcore_barrier()

        def body(c, _):
            pltpu.sync_copy(dst_hbm.at[wid, c], idx_v)
            pltpu.sync_copy(msg_hbm.at[pl.ds(wid * epw + c * _CH, _CH)], msg_v)
            pltpu.sync_copy(msg_v, acc_sh.at[idx_v], add=True)
            return 0

        lax.fori_loop(0, nch, body, 0)
        plsc.subcore_barrier()

        @pl.when(sid == 0)
        def _():
            pltpu.sync_copy(acc_sh, out_hbm.at[cid])

    return _sc_scatter


_EH = _E // 2
_EPW_H = _EH // _NW
_NCH_H = _EPW_H // _CH
_gather_half = _make_gather(_EPW_H, _NCH_H)
_scatter_half = _make_scatter(_EPW_H, _NCH_H)


_ET = 4000


def _msg_body(xj_ref, ef_ref, wT_ref, out_ref):
    xjT = xj_ref[...].T
    efT = ef_ref[...].T
    uT = jnp.concatenate(
        [efT[k : k + 1, :] * xjT for k in range(_DE)] + [xjT], axis=0
    )
    msgT = jnp.dot(wT_ref[...], uT, preferred_element_type=jnp.float32)
    out_ref[...] = msgT.T


def _tc_msg(xj, ef, wstack_T):
    n = xj.shape[0]
    return pl.pallas_call(
        _msg_body,
        grid=(n // _ET,),
        in_specs=[
            pl.BlockSpec((_ET, _DI), lambda i: (i, 0)),
            pl.BlockSpec((_ET, _DE), lambda i: (i, 0)),
            pl.BlockSpec((_DO, (_DE + 1) * _DI), lambda i: (0, 0)),
        ],
        out_specs=pl.BlockSpec((_ET, _DO), lambda i: (i, 0)),
        out_shape=jax.ShapeDtypeStruct((n, _DO), jnp.float32),
    )(xj, ef, wstack_T)


def _final_body(a_ref, b_ref, x_ref, root_ref, bias_ref, gamma_ref, beta_ref, out_ref):
    h = (
        (a_ref[0] + a_ref[1])
        + (b_ref[0] + b_ref[1])
        + jnp.dot(
            x_ref[...], root_ref[...], preferred_element_type=jnp.float32,
            precision=lax.Precision.HIGHEST,
        )
        + bias_ref[...]
    )
    mean = jnp.mean(h, axis=0, keepdims=True)
    hc = h - mean
    var = jnp.mean(hc * hc, axis=0, keepdims=True)
    hn = hc * lax.rsqrt(var + 1e-5) * gamma_ref[...] + beta_ref[...]
    out_ref[...] = jnp.where(hn >= 0.0, hn, 0.01 * hn)


def _tc_final(aggr_a, aggr_b, x, root, bias, gamma, beta):
    return pl.pallas_call(
        _final_body,
        out_shape=jax.ShapeDtypeStruct((_N, _DO), jnp.float32),
    )(aggr_a, aggr_b, x, root, bias, gamma, beta)


def kernel(node_feature, edge_index, edge_feature, nn_W, nn_b, root, bias, gamma, beta):
    src = edge_index[0]
    dst = edge_index[1]
    src_a = src[:_EH].reshape(_NW, _NCH_H, _CH)
    src_b = src[_EH:].reshape(_NW, _NCH_H, _CH)
    dst_a = dst[:_EH].reshape(_NW, _NCH_H, _CH)
    dst_b = dst[_EH:].reshape(_NW, _NCH_H, _CH)
    ef_a = edge_feature[:_EH]
    ef_b = edge_feature[_EH:]
    wstack_T = jnp.concatenate(
        [nn_W.reshape(_DE * _DI, _DO), nn_b.reshape(_DI, _DO)], axis=0
    ).T
    zeros = jnp.zeros((_ACC_N, _DO), jnp.float32)

    xj_a = _gather_half(node_feature, src_a)
    xj_b = _gather_half(node_feature, src_b)
    msg_a = _tc_msg(xj_a, ef_a, wstack_T)
    msg_b = _tc_msg(xj_b, ef_b, wstack_T)
    part_a = _scatter_half(msg_a, dst_a, zeros)
    part_b = _scatter_half(msg_b, dst_b, zeros)
    return _tc_final(
        part_a,
        part_b,
        node_feature,
        root,
        bias.reshape(1, _DO),
        gamma.reshape(1, _DO),
        beta.reshape(1, _DO),
    )

# --- scband reference (transcript-rebuilt; emitter-appended) ---
"""Pipeline reference for scband-node-conv-72834055406396 (READ-ONLY COPY).

The authoritative reference and input builder live on the scoring server;
editing this copy changes nothing except your own understanding.
"""

import jax, jax.numpy as jnp
import numpy as np

N = 10000
E = 160000
D_IN = 32
D_OUT = 32
D_EDGE = 16


def setup_inputs(seed: int = 0) -> dict:
    key = jax.random.key(seed)
    ks = jax.random.split(key, 8)
    node_feature = jax.random.normal(ks[0], (N, D_IN), dtype=jnp.float32)
    edge_index = jax.random.randint(ks[1], (2, E), 0, N, dtype=jnp.int32)
    edge_feature = jax.random.normal(ks[2], (E, D_EDGE), dtype=jnp.float32)
    # nn.Linear(edge_feats, node_feats*out_feats)
    nn_W = jax.random.normal(ks[3], (D_EDGE, D_IN * D_OUT), dtype=jnp.float32) * (1.0 / np.sqrt(D_EDGE))
    nn_b = jnp.zeros((D_IN * D_OUT,), dtype=jnp.float32)
    # NNConv root weight + bias
    root = jax.random.normal(ks[4], (D_IN, D_OUT), dtype=jnp.float32) * (1.0 / np.sqrt(D_IN))
    bias = jnp.zeros((D_OUT,), dtype=jnp.float32)
    # BatchNorm1d affine params
    gamma = jnp.ones((D_OUT,), dtype=jnp.float32)
    beta = jnp.zeros((D_OUT,), dtype=jnp.float32)
    return {
        "node_feature": node_feature,
        "edge_index": edge_index,
        "edge_feature": edge_feature,
        "nn_W": nn_W,
        "nn_b": nn_b,
        "root": root,
        "bias": bias,
        "gamma": gamma,
        "beta": beta,
    }


def reference(node_feature, edge_index, edge_feature, nn_W, nn_b, root, bias, gamma, beta):
    src = edge_index[0]
    dst = edge_index[1]
    # edge-conditioned weights: nn(edge_attr) -> [E, D_IN, D_OUT]
    w = (edge_feature @ nn_W + nn_b).reshape(E, D_IN, D_OUT)
    # gather source node features
    x_j = jnp.take(node_feature, src, axis=0)
    # per-edge message: x_j[e] @ w[e]
    msg = jnp.einsum("ei,eio->eo", x_j, w)
    # scatter-add aggregation at destination nodes
    aggr = jax.ops.segment_sum(msg, dst, num_segments=N)
    # root transform + bias
    h = aggr + node_feature @ root + bias
    # BatchNorm1d (training mode: batch statistics, biased variance)
    mean = jnp.mean(h, axis=0)
    var = jnp.var(h, axis=0)
    hn = (h - mean) / jnp.sqrt(var + 1e-5) * gamma + beta
    return jax.nn.leaky_relu(hn, negative_slope=0.01)

if __name__ == "__main__":
    import jax
    _d = setup_inputs()
    print(jax.jit(kernel)(*tuple(_d.values())))

</pallas_src>

<mosaic_0001>
#map = affine_map<(d0, d1) -> (0, 0)>
#map1 = affine_map<(d0, d1) -> (0, 0, 0)>
module attributes {stable_mosaic.version = 14 : i64} {
  func.func @_sc_gather(%arg0: i32, %arg1: i32, %arg2: memref<10000x32xf32, #tpu.memory_space<hbm>>, %arg3: memref<32x2x1250xi32, #tpu.memory_space<hbm>>, %arg4: memref<80000x32xf32, #tpu.memory_space<hbm>>, %arg5: memref<2x1250xi32, #tpu.memory_space<vmem>>, %arg6: memref<1250x32xf32, #tpu.memory_space<vmem>>, %arg7: memref<!tpu.dma_semaphore, #tpu.memory_space<semaphore_mem>>) attributes {dimension_semantics = [#tpu.dimension_semantics<core_parallel>, #tpu.dimension_semantics<subcore_parallel>], iteration_bounds = array<i64: 2, 16>, scalar_prefetch = 0 : i64, scratch_operands = 3 : i64, tpu.core_type = #tpu.core_type<sc_vector_subcore>, window_params = [{transform_indices = #map}, {transform_indices = #map1}, {transform_indices = #map}]} {
    %mul3A = arith.constant 2 : i32
    %mul3A_0 = arith.muli %arg1, %mul3A : i32
    %add3A = arith.addi %mul3A_0, %arg0 : i32
    "tpu.region"() ({
      %run_scoped3A = tpu.sem_alloc : memref<!tpu.dma_semaphore, #tpu.memory_space<semaphore_mem>>
      %dma_start3A = arith.constant 0 : i32
      %dma_start3A_7 = arith.constant 0 : i32
      %dma_start3A_8 = tpu.memref_slice %arg3[%add3A, %dma_start3A, %dma_start3A_7] : memref<32x2x1250xi32, #tpu.memory_space<hbm>> -> memref<1x2x1250xi32, #tpu.memory_space<hbm>>
      %dma_start3A_9 = tpu.memref_squeeze %dma_start3A_8 : memref<1x2x1250xi32, #tpu.memory_space<hbm>> -> memref<2x1250xi32, #tpu.memory_space<hbm>>
      %dma_start3A_10 = arith.constant 0 : i32
      %dma_start3A_11 = arith.constant 0 : i32
      %dma_start3A_12 = tpu.memref_slice %arg3[%add3A, %dma_start3A_10, %dma_start3A_11] : memref<32x2x1250xi32, #tpu.memory_space<hbm>> -> memref<1x2x1250xi32, #tpu.memory_space<hbm>>
      %dma_start3A_13 = tpu.memref_squeeze %dma_start3A_12 : memref<1x2x1250xi32, #tpu.memory_space<hbm>> -> memref<2x1250xi32, #tpu.memory_space<hbm>>
      tpu.enqueue_dma source(%dma_start3A_13 : memref<2x1250xi32, #tpu.memory_space<hbm>>) target(%arg5 : memref<2x1250xi32, #tpu.memory_space<vmem>>) target_semaphore(%run_scoped3A : memref<!tpu.dma_semaphore, #tpu.memory_space<semaphore_mem>>)
      %dma_wait3A = arith.constant 0 : i32
      %dma_wait3A_14 = arith.constant 0 : i32
      %dma_wait3A_15 = tpu.memref_slice %arg3[%add3A, %dma_wait3A, %dma_wait3A_14] : memref<32x2x1250xi32, #tpu.memory_space<hbm>> -> memref<1x2x1250xi32, #tpu.memory_space<hbm>>
      %dma_wait3A_16 = tpu.memref_squeeze %dma_wait3A_15 : memref<1x2x1250xi32, #tpu.memory_space<hbm>> -> memref<2x1250xi32, #tpu.memory_space<hbm>>
      %dma_wait3A_17 = arith.constant 0 : i32
      %dma_wait3A_18 = arith.constant 0 : i32
      %dma_wait3A_19 = tpu.memref_slice %arg3[%add3A, %dma_wait3A_17, %dma_wait3A_18] : memref<32x2x1250xi32, #tpu.memory_space<hbm>> -> memref<1x2x1250xi32, #tpu.memory_space<hbm>>
      %dma_wait3A_20 = tpu.memref_squeeze %dma_wait3A_19 : memref<1x2x1250xi32, #tpu.memory_space<hbm>> -> memref<2x1250xi32, #tpu.memory_space<hbm>>
      tpu.wait_dma2 semaphore(%run_scoped3A : memref<!tpu.dma_semaphore, #tpu.memory_space<semaphore_mem>>) src(%dma_wait3A_20 : memref<2x1250xi32, #tpu.memory_space<hbm>>) dst(%arg5 : memref<2x1250xi32, #tpu.memory_space<vmem>>)
      tpu.yield
    }) : () -> ()
    %scan3A = arith.constant 0 : i32
    %scan3A_1 = arith.constant 0 : i32
    %scan3A_2 = arith.constant 2 : i32
    %scan3A_3 = arith.addi %scan3A_1, %scan3A_2 : i32
    %scan3A_4 = arith.constant 1 : i32
    %scan3A_5 = scf.for %scan3A_7 = %scan3A_1 to %scan3A_3 step %scan3A_4 iter_args(%scan3A_8 = %scan3A) -> (i32)  : i32 {
      %dma_start3A = arith.constant 0 : i32
      %dma_start3A_9 = tpu.memref_slice %arg5[%scan3A_7, %dma_start3A] : memref<2x1250xi32, #tpu.memory_space<vmem>> -> memref<1x1250xi32, #tpu.memory_space<vmem>>
      %dma_start3A_10 = tpu.memref_squeeze %dma_start3A_9 : memref<1x1250xi32, #tpu.memory_space<vmem>> -> memref<1250xi32, #tpu.memory_space<vmem>>
      %dma_start3A_11 = arith.constant 0 : i32
      %dma_start3A_12 = arith.constant 0 : i32
      %dma_start3A_13 = tpu.memref_slice %arg2[%dma_start3A_11, %dma_start3A_12] : memref<10000x32xf32, #tpu.memory_space<hbm>> -> memref<10000x32xf32, #tpu.memory_space<hbm>>
      tpu.enqueue_indirect_dma source(%dma_start3A_13 : memref<10000x32xf32, #tpu.memory_space<hbm>>) target(%arg6 : memref<1250x32xf32, #tpu.memory_space<vmem>>) offsets(%dma_start3A_10 : memref<1250xi32, #tpu.memory_space<vmem>>) semaphore(%arg7 : memref<!tpu.dma_semaphore, #tpu.memory_space<semaphore_mem>>)
      %dma_wait3A = arith.constant 0 : i32
      %dma_wait3A_14 = tpu.memref_slice %arg5[%scan3A_7, %dma_wait3A] : memref<2x1250xi32, #tpu.memory_space<vmem>> -> memref<1x1250xi32, #tpu.memory_space<vmem>>
      %dma_wait3A_15 = tpu.memref_squeeze %dma_wait3A_14 : memref<1x1250xi32, #tpu.memory_space<vmem>> -> memref<1250xi32, #tpu.memory_space<vmem>>
      %dma_wait3A_16 = arith.constant 0 : i32
      %dma_wait3A_17 = arith.constant 0 : i32
      %dma_wait3A_18 = tpu.memref_slice %arg2[%dma_wait3A_16, %dma_wait3A_17] : memref<10000x32xf32, #tpu.memory_space<hbm>> -> memref<10000x32xf32, #tpu.memory_space<hbm>>
      tpu.wait_indirect_dma semaphore(%arg7 : memref<!tpu.dma_semaphore, #tpu.memory_space<semaphore_mem>>) src(%dma_wait3A_18 : memref<10000x32xf32, #tpu.memory_space<hbm>>) dst(%arg6 : memref<1250x32xf32, #tpu.memory_space<vmem>>)
      %mul3A_19 = arith.constant 2500 : i32
      %mul3A_20 = arith.muli %add3A, %mul3A_19 : i32
      %mul3A_21 = arith.constant 1250 : i32
      %mul3A_22 = arith.muli %scan3A_7, %mul3A_21 : i32
      %add3A_23 = arith.addi %mul3A_20, %mul3A_22 : i32
      "tpu.region"() ({
        %run_scoped3A = tpu.sem_alloc : memref<!tpu.dma_semaphore, #tpu.memory_space<semaphore_mem>>
        %dma_start3A_25 = arith.constant 0 : i32
        %dma_start3A_26 = tpu.memref_slice %arg4[%add3A_23, %dma_start3A_25] : memref<80000x32xf32, #tpu.memory_space<hbm>> -> memref<1250x32xf32, #tpu.memory_space<hbm>>
        %dma_start3A_27 = arith.constant 0 : i32
        %dma_start3A_28 = tpu.memref_slice %arg4[%add3A_23, %dma_start3A_27] : memref<80000x32xf32, #tpu.memory_space<hbm>> -> memref<1250x32xf32, #tpu.memory_space<hbm>>
        tpu.enqueue_dma source(%arg6 : memref<1250x32xf32, #tpu.memory_space<vmem>>) target(%dma_start3A_28 : memref<1250x32xf32, #tpu.memory_space<hbm>>) target_semaphore(%run_scoped3A : memref<!tpu.dma_semaphore, #tpu.memory_space<semaphore_mem>>)
        %dma_wait3A_29 = arith.constant 0 : i32
        %dma_wait3A_30 = tpu.memref_slice %arg4[%add3A_23, %dma_wait3A_29] : memref<80000x32xf32, #tpu.memory_space<hbm>> -> memref<1250x32xf32, #tpu.memory_space<hbm>>
        %dma_wait3A_31 = arith.constant 0 : i32
        %dma_wait3A_32 = tpu.memref_slice %arg4[%add3A_23, %dma_wait3A_31] : memref<80000x32xf32, #tpu.memory_space<hbm>> -> memref<1250x32xf32, #tpu.memory_space<hbm>>
        tpu.wait_dma2 semaphore(%run_scoped3A : memref<!tpu.dma_semaphore, #tpu.memory_space<semaphore_mem>>) src(%arg6 : memref<1250x32xf32, #tpu.memory_space<vmem>>) dst(%dma_wait3A_32 : memref<1250x32xf32, #tpu.memory_space<hbm>>)
        tpu.yield
      }) : () -> ()
      %scan3A_24 = arith.constant 0 : i32
      scf.yield %scan3A_24 : i32
    }
    %scan3A_6 = arith.constant 2 : i32
    return
  }
}

#map = affine_map<(d0, d1) -> (0, 0)>
#map1 = affine_map<(d0, d1) -> (0, 0, 0)>
module attributes {stable_mosaic.version = 14 : i64} {
  func.func @_sc_scatter(%arg0: i32, %arg1: i32, %arg2: memref<80000x32xf32, #tpu.memory_space<hbm>>, %arg3: memref<32x2x1250xi32, #tpu.memory_space<hbm>>, %arg4: memref<10000x32xf32, #tpu.memory_space<hbm>>, %arg5: memref<2x10000x32xf32, #tpu.memory_space<hbm>>, %arg6: memref<1250xi32, #tpu.memory_space<vmem>>, %arg7: memref<1250x32xf32, #tpu.memory_space<vmem>>, %arg8: memref<10000x32xf32, #tpu.memory_space<vmem_shared>>) attributes {dimension_semantics = [#tpu.dimension_semantics<core_parallel>, #tpu.dimension_semantics<subcore_parallel>], iteration_bounds = array<i64: 2, 16>, scalar_prefetch = 0 : i64, scratch_operands = 3 : i64, tpu.core_type = #tpu.core_type<sc_vector_subcore>, window_params = [{transform_indices = #map}, {transform_indices = #map1}, {transform_indices = #map}, {transform_indices = #map1}]} {
    %mul3A = arith.constant 2 : i32
    %mul3A_0 = arith.muli %arg1, %mul3A : i32
    %add3A = arith.addi %mul3A_0, %arg0 : i32
    %eq3A = arith.constant 0 : i32
    %eq3A_1 = arith.cmpi eq, %arg1, %eq3A : i32
    %convert_element_type3A = arith.extui %eq3A_1 : i1 to i32
    %cond3A = arith.constant 0 : i32
    %cond3A_2 = arith.cmpi ne, %convert_element_type3A, %cond3A : i32
    scf.if %cond3A_2 {
      "tpu.region"() ({
        %run_scoped3A = tpu.sem_alloc : memref<!tpu.dma_semaphore, #tpu.memory_space<semaphore_mem>>
        tpu.enqueue_dma source(%arg4 : memref<10000x32xf32, #tpu.memory_space<hbm>>) target(%arg8 : memref<10000x32xf32, #tpu.memory_space<vmem_shared>>) target_semaphore(%run_scoped3A : memref<!tpu.dma_semaphore, #tpu.memory_space<semaphore_mem>>)
        tpu.wait_dma2 semaphore(%run_scoped3A : memref<!tpu.dma_semaphore, #tpu.memory_space<semaphore_mem>>) src(%arg4 : memref<10000x32xf32, #tpu.memory_space<hbm>>) dst(%arg8 : memref<10000x32xf32, #tpu.memory_space<vmem_shared>>)
        tpu.yield
      }) : () -> ()
    } else {
    }
    %barrier3A = arith.constant 0 : index
    tpu.barrier barrier_id(%barrier3A)
    %scan3A = arith.constant 0 : i32
    %scan3A_3 = arith.constant 0 : i32
    %scan3A_4 = arith.constant 2 : i32
    %scan3A_5 = arith.addi %scan3A_3, %scan3A_4 : i32
    %scan3A_6 = arith.constant 1 : i32
    %scan3A_7 = scf.for %scan3A_15 = %scan3A_3 to %scan3A_5 step %scan3A_6 iter_args(%scan3A_16 = %scan3A) -> (i32)  : i32 {
      "tpu.region"() ({
        %run_scoped3A = tpu.sem_alloc : memref<!tpu.dma_semaphore, #tpu.memory_space<semaphore_mem>>
        %dma_start3A = arith.constant 0 : i32
        %dma_start3A_23 = tpu.memref_slice %arg3[%add3A, %scan3A_15, %dma_start3A] : memref<32x2x1250xi32, #tpu.memory_space<hbm>> -> memref<1x1x1250xi32, #tpu.memory_space<hbm>>
        %dma_start3A_24 = tpu.memref_squeeze %dma_start3A_23 : memref<1x1x1250xi32, #tpu.memory_space<hbm>> -> memref<1250xi32, #tpu.memory_space<hbm>>
        %dma_start3A_25 = arith.constant 0 : i32
        %dma_start3A_26 = tpu.memref_slice %arg3[%add3A, %scan3A_15, %dma_start3A_25] : memref<32x2x1250xi32, #tpu.memory_space<hbm>> -> memref<1x1x1250xi32, #tpu.memory_space<hbm>>
        %dma_start3A_27 = tpu.memref_squeeze %dma_start3A_26 : memref<1x1x1250xi32, #tpu.memory_space<hbm>> -> memref<1250xi32, #tpu.memory_space<hbm>>
        tpu.enqueue_dma source(%dma_start3A_27 : memref<1250xi32, #tpu.memory_space<hbm>>) target(%arg6 : memref<1250xi32, #tpu.memory_space<vmem>>) target_semaphore(%run_scoped3A : memref<!tpu.dma_semaphore, #tpu.memory_space<semaphore_mem>>)
        %dma_wait3A = arith.constant 0 : i32
        %dma_wait3A_28 = tpu.memref_slice %arg3[%add3A, %scan3A_15, %dma_wait3A] : memref<32x2x1250xi32, #tpu.memory_space<hbm>> -> memref<1x1x1250xi32, #tpu.memory_space<hbm>>
        %dma_wait3A_29 = tpu.memref_squeeze %dma_wait3A_28 : memref<1x1x1250xi32, #tpu.memory_space<hbm>> -> memref<1250xi32, #tpu.memory_space<hbm>>
        %dma_wait3A_30 = arith.constant 0 : i32
        %dma_wait3A_31 = tpu.memref_slice %arg3[%add3A, %scan3A_15, %dma_wait3A_30] : memref<32x2x1250xi32, #tpu.memory_space<hbm>> -> memref<1x1x1250xi32, #tpu.memory_space<hbm>>
        %dma_wait3A_32 = tpu.memref_squeeze %dma_wait3A_31 : memref<1x1x1250xi32, #tpu.memory_space<hbm>> -> memref<1250xi32, #tpu.memory_space<hbm>>
        tpu.wait_dma2 semaphore(%run_scoped3A : memref<!tpu.dma_semaphore, #tpu.memory_space<semaphore_mem>>) src(%dma_wait3A_32 : memref<1250xi32, #tpu.memory_space<hbm>>) dst(%arg6 : memref<1250xi32, #tpu.memory_space<vmem>>)
        tpu.yield
      }) : () -> ()
      %mul3A_17 = arith.constant 2500 : i32
      %mul3A_18 = arith.muli %add3A, %mul3A_17 : i32
      %mul3A_19 = arith.constant 1250 : i32
      %mul3A_20 = arith.muli %scan3A_15, %mul3A_19 : i32
      %add3A_21 = arith.addi %mul3A_18, %mul3A_20 : i32
      "tpu.region"() ({
        %run_scoped3A = tpu.sem_alloc : memref<!tpu.dma_semaphore, #tpu.memory_space<semaphore_mem>>
        %dma_start3A = arith.constant 0 : i32
        %dma_start3A_23 = tpu.memref_slice %arg2[%add3A_21, %dma_start3A] : memref<80000x32xf32, #tpu.memory_space<hbm>> -> memref<1250x32xf32, #tpu.memory_space<hbm>>
        %dma_start3A_24 = arith.constant 0 : i32
        %dma_start3A_25 = tpu.memref_slice %arg2[%add3A_21, %dma_start3A_24] : memref<80000x32xf32, #tpu.memory_space<hbm>> -> memref<1250x32xf32, #tpu.memory_space<hbm>>
        tpu.enqueue_dma source(%dma_start3A_25 : memref<1250x32xf32, #tpu.memory_space<hbm>>) target(%arg7 : memref<1250x32xf32, #tpu.memory_space<vmem>>) target_semaphore(%run_scoped3A : memref<!tpu.dma_semaphore, #tpu.memory_space<semaphore_mem>>)
        %dma_wait3A = arith.constant 0 : i32
        %dma_wait3A_26 = tpu.memref_slice %arg2[%add3A_21, %dma_wait3A] : memref<80000x32xf32, #tpu.memory_space<hbm>> -> memref<1250x32xf32, #tpu.memory_space<hbm>>
        %dma_wait3A_27 = arith.constant 0 : i32
        %dma_wait3A_28 = tpu.memref_slice %arg2[%add3A_21, %dma_wait3A_27] : memref<80000x32xf32, #tpu.memory_space<hbm>> -> memref<1250x32xf32, #tpu.memory_space<hbm>>
        tpu.wait_dma2 semaphore(%run_scoped3A : memref<!tpu.dma_semaphore, #tpu.memory_space<semaphore_mem>>) src(%dma_wait3A_28 : memref<1250x32xf32, #tpu.memory_space<hbm>>) dst(%arg7 : memref<1250x32xf32, #tpu.memory_space<vmem>>)
        tpu.yield
      }) : () -> ()
      "tpu.region"() ({
        %run_scoped3A = tpu.sem_alloc : memref<!tpu.dma_semaphore, #tpu.memory_space<semaphore_mem>>
        %dma_start3A = arith.constant 0 : i32
        %dma_start3A_23 = arith.constant 0 : i32
        %dma_start3A_24 = tpu.memref_slice %arg8[%dma_start3A, %dma_start3A_23] : memref<10000x32xf32, #tpu.memory_space<vmem_shared>> -> memref<10000x32xf32, #tpu.memory_space<vmem_shared>>
        tpu.enqueue_indirect_dma source(%arg7 : memref<1250x32xf32, #tpu.memory_space<vmem>>) target(%dma_start3A_24 : memref<10000x32xf32, #tpu.memory_space<vmem_shared>>) offsets(%arg6 : memref<1250xi32, #tpu.memory_space<vmem>>) semaphore(%run_scoped3A : memref<!tpu.dma_semaphore, #tpu.memory_space<semaphore_mem>>) {add = true}
        %dma_wait3A = arith.constant 0 : i32
        %dma_wait3A_25 = arith.constant 0 : i32
        %dma_wait3A_26 = tpu.memref_slice %arg8[%dma_wait3A, %dma_wait3A_25] : memref<10000x32xf32, #tpu.memory_space<vmem_shared>> -> memref<10000x32xf32, #tpu.memory_space<vmem_shared>>
        tpu.wait_indirect_dma semaphore(%run_scoped3A : memref<!tpu.dma_semaphore, #tpu.memory_space<semaphore_mem>>) src(%arg7 : memref<1250x32xf32, #tpu.memory_space<vmem>>) dst(%dma_wait3A_26 : memref<10000x32xf32, #tpu.memory_space<vmem_shared>>)
        tpu.yield
      }) : () -> ()
      %scan3A_22 = arith.constant 0 : i32
      scf.yield %scan3A_22 : i32
    }
    %scan3A_8 = arith.constant 2 : i32
    %barrier3A_9 = arith.constant 0 : index
    tpu.barrier barrier_id(%barrier3A_9)
    %eq3A_10 = arith.constant 0 : i32
    %eq3A_11 = arith.cmpi eq, %arg1, %eq3A_10 : i32
    %convert_element_type3A_12 = arith.extui %eq3A_11 : i1 to i32
    %cond3A_13 = arith.constant 0 : i32
    %cond3A_14 = arith.cmpi ne, %convert_element_type3A_12, %cond3A_13 : i32
    scf.if %cond3A_14 {
      "tpu.region"() ({
        %run_scoped3A = tpu.sem_alloc : memref<!tpu.dma_semaphore, #tpu.memory_space<semaphore_mem>>
        %dma_start3A = arith.constant 0 : i32
        %dma_start3A_15 = arith.constant 0 : i32
        %dma_start3A_16 = tpu.memref_slice %arg5[%arg0, %dma_start3A, %dma_start3A_15] : memref<2x10000x32xf32, #tpu.memory_space<hbm>> -> memref<1x10000x32xf32, #tpu.memory_space<hbm>>
        %dma_start3A_17 = tpu.memref_squeeze %dma_start3A_16 : memref<1x10000x32xf32, #tpu.memory_space<hbm>> -> memref<10000x32xf32, #tpu.memory_space<hbm>>
        tpu.enqueue_dma source(%arg8 : memref<10000x32xf32, #tpu.memory_space<vmem_shared>>) target(%dma_start3A_17 : memref<10000x32xf32, #tpu.memory_space<hbm>>) target_semaphore(%run_scoped3A : memref<!tpu.dma_semaphore, #tpu.memory_space<semaphore_mem>>)
        %dma_wait3A = arith.constant 0 : i32
        %dma_wait3A_18 = arith.constant 0 : i32
        %dma_wait3A_19 = tpu.memref_slice %arg5[%arg0, %dma_wait3A, %dma_wait3A_18] : memref<2x10000x32xf32, #tpu.memory_space<hbm>> -> memref<1x10000x32xf32, #tpu.memory_space<hbm>>
        %dma_wait3A_20 = tpu.memref_squeeze %dma_wait3A_19 : memref<1x10000x32xf32, #tpu.memory_space<hbm>> -> memref<10000x32xf32, #tpu.memory_space<hbm>>
        tpu.wait_dma2 semaphore(%run_scoped3A : memref<!tpu.dma_semaphore, #tpu.memory_space<semaphore_mem>>) src(%arg8 : memref<10000x32xf32, #tpu.memory_space<vmem_shared>>) dst(%dma_wait3A_20 : memref<10000x32xf32, #tpu.memory_space<hbm>>)
        tpu.yield
      }) : () -> ()
    } else {
    }
    return
  }
}

#map = affine_map<(d0, d1) -> (0, 0)>
#map1 = affine_map<(d0, d1) -> (0, 0, 0)>
module attributes {stable_mosaic.version = 14 : i64} {
  func.func @_sc_scatter(%arg0: i32, %arg1: i32, %arg2: memref<80000x32xf32, #tpu.memory_space<hbm>>, %arg3: memref<32x2x1250xi32, #tpu.memory_space<hbm>>, %arg4: memref<10000x32xf32, #tpu.memory_space<hbm>>, %arg5: memref<2x10000x32xf32, #tpu.memory_space<hbm>>, %arg6: memref<1250xi32, #tpu.memory_space<vmem>>, %arg7: memref<1250x32xf32, #tpu.memory_space<vmem>>, %arg8: memref<10000x32xf32, #tpu.memory_space<vmem_shared>>) attributes {dimension_semantics = [#tpu.dimension_semantics<core_parallel>, #tpu.dimension_semantics<subcore_parallel>], iteration_bounds = array<i64: 2, 16>, scalar_prefetch = 0 : i64, scratch_operands = 3 : i64, tpu.core_type = #tpu.core_type<sc_vector_subcore>, window_params = [{transform_indices = #map}, {transform_indices = #map1}, {transform_indices = #map}, {transform_indices = #map1}]} {
    %mul3A = arith.constant 2 : i32
    %mul3A_0 = arith.muli %arg1, %mul3A : i32
    %add3A = arith.addi %mul3A_0, %arg0 : i32
    %eq3A = arith.constant 0 : i32
    %eq3A_1 = arith.cmpi eq, %arg1, %eq3A : i32
    %convert_element_type3A = arith.extui %eq3A_1 : i1 to i32
    %cond3A = arith.constant 0 : i32
    %cond3A_2 = arith.cmpi ne, %convert_element_type3A, %cond3A : i32
    scf.if %cond3A_2 {
      "tpu.region"() ({
        %run_scoped3A = tpu.sem_alloc : memref<!tpu.dma_semaphore, #tpu.memory_space<semaphore_mem>>
        tpu.enqueue_dma source(%arg4 : memref<10000x32xf32, #tpu.memory_space<hbm>>) target(%arg8 : memref<10000x32xf32, #tpu.memory_space<vmem_shared>>) target_semaphore(%run_scoped3A : memref<!tpu.dma_semaphore, #tpu.memory_space<semaphore_mem>>)
        tpu.wait_dma2 semaphore(%run_scoped3A : memref<!tpu.dma_semaphore, #tpu.memory_space<semaphore_mem>>) src(%arg4 : memref<10000x32xf32, #tpu.memory_space<hbm>>) dst(%arg8 : memref<10000x32xf32, #tpu.memory_space<vmem_shared>>)
        tpu.yield
      }) : () -> ()
    } else {
    }
    %barrier3A = arith.constant 0 : index
    tpu.barrier barrier_id(%barrier3A)
    %scan3A = arith.constant 0 : i32
    %scan3A_3 = arith.constant 0 : i32
    %scan3A_4 = arith.constant 2 : i32
    %scan3A_5 = arith.addi %scan3A_3, %scan3A_4 : i32
    %scan3A_6 = arith.constant 1 : i32
    %scan3A_7 = scf.for %scan3A_15 = %scan3A_3 to %scan3A_5 step %scan3A_6 iter_args(%scan3A_16 = %scan3A) -> (i32)  : i32 {
      "tpu.region"() ({
        %run_scoped3A = tpu.sem_alloc : memref<!tpu.dma_semaphore, #tpu.memory_space<semaphore_mem>>
        %dma_start3A = arith.constant 0 : i32
        %dma_start3A_23 = tpu.memref_slice %arg3[%add3A, %scan3A_15, %dma_start3A] : memref<32x2x1250xi32, #tpu.memory_space<hbm>> -> memref<1x1x1250xi32, #tpu.memory_space<hbm>>
        %dma_start3A_24 = tpu.memref_squeeze %dma_start3A_23 : memref<1x1x1250xi32, #tpu.memory_space<hbm>> -> memref<1250xi32, #tpu.memory_space<hbm>>
        %dma_start3A_25 = arith.constant 0 : i32
        %dma_start3A_26 = tpu.memref_slice %arg3[%add3A, %scan3A_15, %dma_start3A_25] : memref<32x2x1250xi32, #tpu.memory_space<hbm>> -> memref<1x1x1250xi32, #tpu.memory_space<hbm>>
        %dma_start3A_27 = tpu.memref_squeeze %dma_start3A_26 : memref<1x1x1250xi32, #tpu.memory_space<hbm>> -> memref<1250xi32, #tpu.memory_space<hbm>>
        tpu.enqueue_dma source(%dma_start3A_27 : memref<1250xi32, #tpu.memory_space<hbm>>) target(%arg6 : memref<1250xi32, #tpu.memory_space<vmem>>) target_semaphore(%run_scoped3A : memref<!tpu.dma_semaphore, #tpu.memory_space<semaphore_mem>>)
        %dma_wait3A = arith.constant 0 : i32
        %dma_wait3A_28 = tpu.memref_slice %arg3[%add3A, %scan3A_15, %dma_wait3A] : memref<32x2x1250xi32, #tpu.memory_space<hbm>> -> memref<1x1x1250xi32, #tpu.memory_space<hbm>>
        %dma_wait3A_29 = tpu.memref_squeeze %dma_wait3A_28 : memref<1x1x1250xi32, #tpu.memory_space<hbm>> -> memref<1250xi32, #tpu.memory_space<hbm>>
        %dma_wait3A_30 = arith.constant 0 : i32
        %dma_wait3A_31 = tpu.memref_slice %arg3[%add3A, %scan3A_15, %dma_wait3A_30] : memref<32x2x1250xi32, #tpu.memory_space<hbm>> -> memref<1x1x1250xi32, #tpu.memory_space<hbm>>
        %dma_wait3A_32 = tpu.memref_squeeze %dma_wait3A_31 : memref<1x1x1250xi32, #tpu.memory_space<hbm>> -> memref<1250xi32, #tpu.memory_space<hbm>>
        tpu.wait_dma2 semaphore(%run_scoped3A : memref<!tpu.dma_semaphore, #tpu.memory_space<semaphore_mem>>) src(%dma_wait3A_32 : memref<1250xi32, #tpu.memory_space<hbm>>) dst(%arg6 : memref<1250xi32, #tpu.memory_space<vmem>>)
        tpu.yield
      }) : () -> ()
      %mul3A_17 = arith.constant 2500 : i32
      %mul3A_18 = arith.muli %add3A, %mul3A_17 : i32
      %mul3A_19 = arith.constant 1250 : i32
      %mul3A_20 = arith.muli %scan3A_15, %mul3A_19 : i32
      %add3A_21 = arith.addi %mul3A_18, %mul3A_20 : i32
      "tpu.region"() ({
        %run_scoped3A = tpu.sem_alloc : memref<!tpu.dma_semaphore, #tpu.memory_space<semaphore_mem>>
        %dma_start3A = arith.constant 0 : i32
        %dma_start3A_23 = tpu.memref_slice %arg2[%add3A_21, %dma_start3A] : memref<80000x32xf32, #tpu.memory_space<hbm>> -> memref<1250x32xf32, #tpu.memory_space<hbm>>
        %dma_start3A_24 = arith.constant 0 : i32
        %dma_start3A_25 = tpu.memref_slice %arg2[%add3A_21, %dma_start3A_24] : memref<80000x32xf32, #tpu.memory_space<hbm>> -> memref<1250x32xf32, #tpu.memory_space<hbm>>
        tpu.enqueue_dma source(%dma_start3A_25 : memref<1250x32xf32, #tpu.memory_space<hbm>>) target(%arg7 : memref<1250x32xf32, #tpu.memory_space<vmem>>) target_semaphore(%run_scoped3A : memref<!tpu.dma_semaphore, #tpu.memory_space<semaphore_mem>>)
        %dma_wait3A = arith.constant 0 : i32
        %dma_wait3A_26 = tpu.memref_slice %arg2[%add3A_21, %dma_wait3A] : memref<80000x32xf32, #tpu.memory_space<hbm>> -> memref<1250x32xf32, #tpu.memory_space<hbm>>
        %dma_wait3A_27 = arith.constant 0 : i32
        %dma_wait3A_28 = tpu.memref_slice %arg2[%add3A_21, %dma_wait3A_27] : memref<80000x32xf32, #tpu.memory_space<hbm>> -> memref<1250x32xf32, #tpu.memory_space<hbm>>
        tpu.wait_dma2 semaphore(%run_scoped3A : memref<!tpu.dma_semaphore, #tpu.memory_space<semaphore_mem>>) src(%dma_wait3A_28 : memref<1250x32xf32, #tpu.memory_space<hbm>>) dst(%arg7 : memref<1250x32xf32, #tpu.memory_space<vmem>>)
        tpu.yield
      }) : () -> ()
      "tpu.region"() ({
        %run_scoped3A = tpu.sem_alloc : memref<!tpu.dma_semaphore, #tpu.memory_space<semaphore_mem>>
        %dma_start3A = arith.constant 0 : i32
        %dma_start3A_23 = arith.constant 0 : i32
        %dma_start3A_24 = tpu.memref_slice %arg8[%dma_start3A, %dma_start3A_23] : memref<10000x32xf32, #tpu.memory_space<vmem_shared>> -> memref<10000x32xf32, #tpu.memory_space<vmem_shared>>
        tpu.enqueue_indirect_dma source(%arg7 : memref<1250x32xf32, #tpu.memory_space<vmem>>) target(%dma_start3A_24 : memref<10000x32xf32, #tpu.memory_space<vmem_shared>>) offsets(%arg6 : memref<1250xi32, #tpu.memory_space<vmem>>) semaphore(%run_scoped3A : memref<!tpu.dma_semaphore, #tpu.memory_space<semaphore_mem>>) {add = true}
        %dma_wait3A = arith.constant 0 : i32
        %dma_wait3A_25 = arith.constant 0 : i32
        %dma_wait3A_26 = tpu.memref_slice %arg8[%dma_wait3A, %dma_wait3A_25] : memref<10000x32xf32, #tpu.memory_space<vmem_shared>> -> memref<10000x32xf32, #tpu.memory_space<vmem_shared>>
        tpu.wait_indirect_dma semaphore(%run_scoped3A : memref<!tpu.dma_semaphore, #tpu.memory_space<semaphore_mem>>) src(%arg7 : memref<1250x32xf32, #tpu.memory_space<vmem>>) dst(%dma_wait3A_26 : memref<10000x32xf32, #tpu.memory_space<vmem_shared>>)
        tpu.yield
      }) : () -> ()
      %scan3A_22 = arith.constant 0 : i32
      scf.yield %scan3A_22 : i32
    }
    %scan3A_8 = arith.constant 2 : i32
    %barrier3A_9 = arith.constant 0 : index
    tpu.barrier barrier_id(%barrier3A_9)
    %eq3A_10 = arith.constant 0 : i32
    %eq3A_11 = arith.cmpi eq, %arg1, %eq3A_10 : i32
    %convert_element_type3A_12 = arith.extui %eq3A_11 : i1 to i32
    %cond3A_13 = arith.constant 0 : i32
    %cond3A_14 = arith.cmpi ne, %convert_element_type3A_12, %cond3A_13 : i32
    scf.if %cond3A_14 {
      "tpu.region"() ({
        %run_scoped3A = tpu.sem_alloc : memref<!tpu.dma_semaphore, #tpu.memory_space<semaphore_mem>>
        %dma_start3A = arith.constant 0 : i32
        %dma_start3A_15 = arith.constant 0 : i32
        %dma_start3A_16 = tpu.memref_slice %arg5[%arg0, %dma_start3A, %dma_start3A_15] : memref<2x10000x32xf32, #tpu.memory_space<hbm>> -> memref<1x10000x32xf32, #tpu.memory_space<hbm>>
        %dma_start3A_17 = tpu.memref_squeeze %dma_start3A_16 : memref<1x10000x32xf32, #tpu.memory_space<hbm>> -> memref<10000x32xf32, #tpu.memory_space<hbm>>
        tpu.enqueue_dma source(%arg8 : memref<10000x32xf32, #tpu.memory_space<vmem_shared>>) target(%dma_start3A_17 : memref<10000x32xf32, #tpu.memory_space<hbm>>) target_semaphore(%run_scoped3A : memref<!tpu.dma_semaphore, #tpu.memory_space<semaphore_mem>>)
        %dma_wait3A = arith.constant 0 : i32
        %dma_wait3A_18 = arith.constant 0 : i32
        %dma_wait3A_19 = tpu.memref_slice %arg5[%arg0, %dma_wait3A, %dma_wait3A_18] : memref<2x10000x32xf32, #tpu.memory_space<hbm>> -> memref<1x10000x32xf32, #tpu.memory_space<hbm>>
        %dma_wait3A_20 = tpu.memref_squeeze %dma_wait3A_19 : memref<1x10000x32xf32, #tpu.memory_space<hbm>> -> memref<10000x32xf32, #tpu.memory_space<hbm>>
        tpu.wait_dma2 semaphore(%run_scoped3A : memref<!tpu.dma_semaphore, #tpu.memory_space<semaphore_mem>>) src(%arg8 : memref<10000x32xf32, #tpu.memory_space<vmem_shared>>) dst(%dma_wait3A_20 : memref<10000x32xf32, #tpu.memory_space<hbm>>)
        tpu.yield
      }) : () -> ()
    } else {
    }
    return
  }
}

#map = affine_map<(d0, d1) -> (0, 0)>
#map1 = affine_map<(d0, d1) -> (0, 0, 0)>
module attributes {stable_mosaic.version = 14 : i64} {
  func.func @_sc_gather(%arg0: i32, %arg1: i32, %arg2: memref<10000x32xf32, #tpu.memory_space<hbm>>, %arg3: memref<32x2x1250xi32, #tpu.memory_space<hbm>>, %arg4: memref<80000x32xf32, #tpu.memory_space<hbm>>, %arg5: memref<2x1250xi32, #tpu.memory_space<vmem>>, %arg6: memref<1250x32xf32, #tpu.memory_space<vmem>>, %arg7: memref<!tpu.dma_semaphore, #tpu.memory_space<semaphore_mem>>) attributes {dimension_semantics = [#tpu.dimension_semantics<core_parallel>, #tpu.dimension_semantics<subcore_parallel>], iteration_bounds = array<i64: 2, 16>, scalar_prefetch = 0 : i64, scratch_operands = 3 : i64, tpu.core_type = #tpu.core_type<sc_vector_subcore>, window_params = [{transform_indices = #map}, {transform_indices = #map1}, {transform_indices = #map}]} {
    %mul3A = arith.constant 2 : i32
    %mul3A_0 = arith.muli %arg1, %mul3A : i32
    %add3A = arith.addi %mul3A_0, %arg0 : i32
    "tpu.region"() ({
      %run_scoped3A = tpu.sem_alloc : memref<!tpu.dma_semaphore, #tpu.memory_space<semaphore_mem>>
      %dma_start3A = arith.constant 0 : i32
      %dma_start3A_7 = arith.constant 0 : i32
      %dma_start3A_8 = tpu.memref_slice %arg3[%add3A, %dma_start3A, %dma_start3A_7] : memref<32x2x1250xi32, #tpu.memory_space<hbm>> -> memref<1x2x1250xi32, #tpu.memory_space<hbm>>
      %dma_start3A_9 = tpu.memref_squeeze %dma_start3A_8 : memref<1x2x1250xi32, #tpu.memory_space<hbm>> -> memref<2x1250xi32, #tpu.memory_space<hbm>>
      %dma_start3A_10 = arith.constant 0 : i32
      %dma_start3A_11 = arith.constant 0 : i32
      %dma_start3A_12 = tpu.memref_slice %arg3[%add3A, %dma_start3A_10, %dma_start3A_11] : memref<32x2x1250xi32, #tpu.memory_space<hbm>> -> memref<1x2x1250xi32, #tpu.memory_space<hbm>>
      %dma_start3A_13 = tpu.memref_squeeze %dma_start3A_12 : memref<1x2x1250xi32, #tpu.memory_space<hbm>> -> memref<2x1250xi32, #tpu.memory_space<hbm>>
      tpu.enqueue_dma source(%dma_start3A_13 : memref<2x1250xi32, #tpu.memory_space<hbm>>) target(%arg5 : memref<2x1250xi32, #tpu.memory_space<vmem>>) target_semaphore(%run_scoped3A : memref<!tpu.dma_semaphore, #tpu.memory_space<semaphore_mem>>)
      %dma_wait3A = arith.constant 0 : i32
      %dma_wait3A_14 = arith.constant 0 : i32
      %dma_wait3A_15 = tpu.memref_slice %arg3[%add3A, %dma_wait3A, %dma_wait3A_14] : memref<32x2x1250xi32, #tpu.memory_space<hbm>> -> memref<1x2x1250xi32, #tpu.memory_space<hbm>>
      %dma_wait3A_16 = tpu.memref_squeeze %dma_wait3A_15 : memref<1x2x1250xi32, #tpu.memory_space<hbm>> -> memref<2x1250xi32, #tpu.memory_space<hbm>>
      %dma_wait3A_17 = arith.constant 0 : i32
      %dma_wait3A_18 = arith.constant 0 : i32
      %dma_wait3A_19 = tpu.memref_slice %arg3[%add3A, %dma_wait3A_17, %dma_wait3A_18] : memref<32x2x1250xi32, #tpu.memory_space<hbm>> -> memref<1x2x1250xi32, #tpu.memory_space<hbm>>
      %dma_wait3A_20 = tpu.memref_squeeze %dma_wait3A_19 : memref<1x2x1250xi32, #tpu.memory_space<hbm>> -> memref<2x1250xi32, #tpu.memory_space<hbm>>
      tpu.wait_dma2 semaphore(%run_scoped3A : memref<!tpu.dma_semaphore, #tpu.memory_space<semaphore_mem>>) src(%dma_wait3A_20 : memref<2x1250xi32, #tpu.memory_space<hbm>>) dst(%arg5 : memref<2x1250xi32, #tpu.memory_space<vmem>>)
      tpu.yield
    }) : () -> ()
    %scan3A = arith.constant 0 : i32
    %scan3A_1 = arith.constant 0 : i32
    %scan3A_2 = arith.constant 2 : i32
    %scan3A_3 = arith.addi %scan3A_1, %scan3A_2 : i32
    %scan3A_4 = arith.constant 1 : i32
    %scan3A_5 = scf.for %scan3A_7 = %scan3A_1 to %scan3A_3 step %scan3A_4 iter_args(%scan3A_8 = %scan3A) -> (i32)  : i32 {
      %dma_start3A = arith.constant 0 : i32
      %dma_start3A_9 = tpu.memref_slice %arg5[%scan3A_7, %dma_start3A] : memref<2x1250xi32, #tpu.memory_space<vmem>> -> memref<1x1250xi32, #tpu.memory_space<vmem>>
      %dma_start3A_10 = tpu.memref_squeeze %dma_start3A_9 : memref<1x1250xi32, #tpu.memory_space<vmem>> -> memref<1250xi32, #tpu.memory_space<vmem>>
      %dma_start3A_11 = arith.constant 0 : i32
      %dma_start3A_12 = arith.constant 0 : i32
      %dma_start3A_13 = tpu.memref_slice %arg2[%dma_start3A_11, %dma_start3A_12] : memref<10000x32xf32, #tpu.memory_space<hbm>> -> memref<10000x32xf32, #tpu.memory_space<hbm>>
      tpu.enqueue_indirect_dma source(%dma_start3A_13 : memref<10000x32xf32, #tpu.memory_space<hbm>>) target(%arg6 : memref<1250x32xf32, #tpu.memory_space<vmem>>) offsets(%dma_start3A_10 : memref<1250xi32, #tpu.memory_space<vmem>>) semaphore(%arg7 : memref<!tpu.dma_semaphore, #tpu.memory_space<semaphore_mem>>)
      %dma_wait3A = arith.constant 0 : i32
      %dma_wait3A_14 = tpu.memref_slice %arg5[%scan3A_7, %dma_wait3A] : memref<2x1250xi32, #tpu.memory_space<vmem>> -> memref<1x1250xi32, #tpu.memory_space<vmem>>
      %dma_wait3A_15 = tpu.memref_squeeze %dma_wait3A_14 : memref<1x1250xi32, #tpu.memory_space<vmem>> -> memref<1250xi32, #tpu.memory_space<vmem>>
      %dma_wait3A_16 = arith.constant 0 : i32
      %dma_wait3A_17 = arith.constant 0 : i32
      %dma_wait3A_18 = tpu.memref_slice %arg2[%dma_wait3A_16, %dma_wait3A_17] : memref<10000x32xf32, #tpu.memory_space<hbm>> -> memref<10000x32xf32, #tpu.memory_space<hbm>>
      tpu.wait_indirect_dma semaphore(%arg7 : memref<!tpu.dma_semaphore, #tpu.memory_space<semaphore_mem>>) src(%dma_wait3A_18 : memref<10000x32xf32, #tpu.memory_space<hbm>>) dst(%arg6 : memref<1250x32xf32, #tpu.memory_space<vmem>>)
      %mul3A_19 = arith.constant 2500 : i32
      %mul3A_20 = arith.muli %add3A, %mul3A_19 : i32
      %mul3A_21 = arith.constant 1250 : i32
      %mul3A_22 = arith.muli %scan3A_7, %mul3A_21 : i32
      %add3A_23 = arith.addi %mul3A_20, %mul3A_22 : i32
      "tpu.region"() ({
        %run_scoped3A = tpu.sem_alloc : memref<!tpu.dma_semaphore, #tpu.memory_space<semaphore_mem>>
        %dma_start3A_25 = arith.constant 0 : i32
        %dma_start3A_26 = tpu.memref_slice %arg4[%add3A_23, %dma_start3A_25] : memref<80000x32xf32, #tpu.memory_space<hbm>> -> memref<1250x32xf32, #tpu.memory_space<hbm>>
        %dma_start3A_27 = arith.constant 0 : i32
        %dma_start3A_28 = tpu.memref_slice %arg4[%add3A_23, %dma_start3A_27] : memref<80000x32xf32, #tpu.memory_space<hbm>> -> memref<1250x32xf32, #tpu.memory_space<hbm>>
        tpu.enqueue_dma source(%arg6 : memref<1250x32xf32, #tpu.memory_space<vmem>>) target(%dma_start3A_28 : memref<1250x32xf32, #tpu.memory_space<hbm>>) target_semaphore(%run_scoped3A : memref<!tpu.dma_semaphore, #tpu.memory_space<semaphore_mem>>)
        %dma_wait3A_29 = arith.constant 0 : i32
        %dma_wait3A_30 = tpu.memref_slice %arg4[%add3A_23, %dma_wait3A_29] : memref<80000x32xf32, #tpu.memory_space<hbm>> -> memref<1250x32xf32, #tpu.memory_space<hbm>>
        %dma_wait3A_31 = arith.constant 0 : i32
        %dma_wait3A_32 = tpu.memref_slice %arg4[%add3A_23, %dma_wait3A_31] : memref<80000x32xf32, #tpu.memory_space<hbm>> -> memref<1250x32xf32, #tpu.memory_space<hbm>>
        tpu.wait_dma2 semaphore(%run_scoped3A : memref<!tpu.dma_semaphore, #tpu.memory_space<semaphore_mem>>) src(%arg6 : memref<1250x32xf32, #tpu.memory_space<vmem>>) dst(%dma_wait3A_32 : memref<1250x32xf32, #tpu.memory_space<hbm>>)
        tpu.yield
      }) : () -> ()
      %scan3A_24 = arith.constant 0 : i32
      scf.yield %scan3A_24 : i32
    }
    %scan3A_6 = arith.constant 2 : i32
    return
  }
}

module attributes {stable_mosaic.version = 14 : i64} {
  func.func @_msg_body(%arg0: i32, %arg1: memref<4000x32xf32, #tpu.memory_space<vmem>>, %arg2: memref<4000x16xf32, #tpu.memory_space<vmem>>, %arg3: memref<32x544xf32, #tpu.memory_space<vmem>>, %arg4: memref<4000x32xf32, #tpu.memory_space<vmem>>) attributes {dimension_semantics = [#tpu.dimension_semantics<arbitrary>], iteration_bounds = array<i64: 20>, scalar_prefetch = 0 : i64, scratch_operands = 0 : i64, tpu.core_type = #tpu.core_type<tc>, window_params = [{transform_indices = @transform_0, window_bounds = array<i64: 4000, 32>}, {transform_indices = @transform_1, window_bounds = array<i64: 4000, 16>}, {pipeline_mode = #tpu.pipeline_mode<synchronous>, transform_indices = @transform_2, window_bounds = array<i64: 32, 544>}, {transform_indices = @transform_3, window_bounds = array<i64: 4000, 32>}]} {
    %get3A = arith.constant 0 : index
    %get3A_0 = arith.constant 0 : index
    %get3A_1 = vector.load %arg1[%get3A, %get3A_0] : memref<4000x32xf32, #tpu.memory_space<vmem>>, vector<4000x32xf32>
    %transpose3A = tpu.transpose %get3A_1, [1, 0] : vector<4000x32xf32> -> vector<32x4000xf32>
    %get3A_2 = arith.constant 0 : index
    %get3A_3 = arith.constant 0 : index
    %get3A_4 = vector.load %arg2[%get3A_2, %get3A_3] : memref<4000x16xf32, #tpu.memory_space<vmem>>, vector<4000x16xf32>
    %transpose3A_5 = tpu.transpose %get3A_4, [1, 0] : vector<4000x16xf32> -> vector<16x4000xf32>
    %slice3A = vector.extract_strided_slice %transpose3A_5 {offsets = [0, 0], sizes = [1, 4000], strides = [1, 1]} : vector<16x4000xf32> to vector<1x4000xf32>
    %mul3A = vector.broadcast %slice3A : vector<1x4000xf32> to vector<32x4000xf32>
    %mul3A_6 = arith.mulf %mul3A, %transpose3A : vector<32x4000xf32>
    %slice3A_7 = vector.extract_strided_slice %transpose3A_5 {offsets = [1, 0], sizes = [1, 4000], strides = [1, 1]} : vector<16x4000xf32> to vector<1x4000xf32>
    %mul3A_8 = vector.broadcast %slice3A_7 : vector<1x4000xf32> to vector<32x4000xf32>
    %mul3A_9 = arith.mulf %mul3A_8, %transpose3A : vector<32x4000xf32>
    %slice3A_10 = vector.extract_strided_slice %transpose3A_5 {offsets = [2, 0], sizes = [1, 4000], strides = [1, 1]} : vector<16x4000xf32> to vector<1x4000xf32>
    %mul3A_11 = vector.broadcast %slice3A_10 : vector<1x4000xf32> to vector<32x4000xf32>
    %mul3A_12 = arith.mulf %mul3A_11, %transpose3A : vector<32x4000xf32>
    %slice3A_13 = vector.extract_strided_slice %transpose3A_5 {offsets = [3, 0], sizes = [1, 4000], strides = [1, 1]} : vector<16x4000xf32> to vector<1x4000xf32>
    %mul3A_14 = vector.broadcast %slice3A_13 : vector<1x4000xf32> to vector<32x4000xf32>
    %mul3A_15 = arith.mulf %mul3A_14, %transpose3A : vector<32x4000xf32>
    %slice3A_16 = vector.extract_strided_slice %transpose3A_5 {offsets = [4, 0], sizes = [1, 4000], strides = [1, 1]} : vector<16x4000xf32> to vector<1x4000xf32>
    %mul3A_17 = vector.broadcast %slice3A_16 : vector<1x4000xf32> to vector<32x4000xf32>
    %mul3A_18 = arith.mulf %mul3A_17, %transpose3A : vector<32x4000xf32>
    %slice3A_19 = vector.extract_strided_slice %transpose3A_5 {offsets = [5, 0], sizes = [1, 4000], strides = [1, 1]} : vector<16x4000xf32> to vector<1x4000xf32>
    %mul3A_20 = vector.broadcast %slice3A_19 : vector<1x4000xf32> to vector<32x4000xf32>
    %mul3A_21 = arith.mulf %mul3A_20, %transpose3A : vector<32x4000xf32>
    %slice3A_22 = vector.extract_strided_slice %transpose3A_5 {offsets = [6, 0], sizes = [1, 4000], strides = [1, 1]} : vector<16x4000xf32> to vector<1x4000xf32>
    %mul3A_23 = vector.broadcast %slice3A_22 : vector<1x4000xf32> to vector<32x4000xf32>
    %mul3A_24 = arith.mulf %mul3A_23, %transpose3A : vector<32x4000xf32>
    %slice3A_25 = vector.extract_strided_slice %transpose3A_5 {offsets = [7, 0], sizes = [1, 4000], strides = [1, 1]} : vector<16x4000xf32> to vector<1x4000xf32>
    %mul3A_26 = vector.broadcast %slice3A_25 : vector<1x4000xf32> to vector<32x4000xf32>
    %mul3A_27 = arith.mulf %mul3A_26, %transpose3A : vector<32x4000xf32>
    %slice3A_28 = vector.extract_strided_slice %transpose3A_5 {offsets = [8, 0], sizes = [1, 4000], strides = [1, 1]} : vector<16x4000xf32> to vector<1x4000xf32>
    %mul3A_29 = vector.broadcast %slice3A_28 : vector<1x4000xf32> to vector<32x4000xf32>
    %mul3A_30 = arith.mulf %mul3A_29, %transpose3A : vector<32x4000xf32>
    %slice3A_31 = vector.extract_strided_slice %transpose3A_5 {offsets = [9, 0], sizes = [1, 4000], strides = [1, 1]} : vector<16x4000xf32> to vector<1x4000xf32>
    %mul3A_32 = vector.broadcast %slice3A_31 : vector<1x4000xf32> to vector<32x4000xf32>
    %mul3A_33 = arith.mulf %mul3A_32, %transpose3A : vector<32x4000xf32>
    %slice3A_34 = vector.extract_strided_slice %transpose3A_5 {offsets = [10, 0], sizes = [1, 4000], strides = [1, 1]} : vector<16x4000xf32> to vector<1x4000xf32>
    %mul3A_35 = vector.broadcast %slice3A_34 : vector<1x4000xf32> to vector<32x4000xf32>
    %mul3A_36 = arith.mulf %mul3A_35, %transpose3A : vector<32x4000xf32>
    %slice3A_37 = vector.extract_strided_slice %transpose3A_5 {offsets = [11, 0], sizes = [1, 4000], strides = [1, 1]} : vector<16x4000xf32> to vector<1x4000xf32>
    %mul3A_38 = vector.broadcast %slice3A_37 : vector<1x4000xf32> to vector<32x4000xf32>
    %mul3A_39 = arith.mulf %mul3A_38, %transpose3A : vector<32x4000xf32>
    %slice3A_40 = vector.extract_strided_slice %transpose3A_5 {offsets = [12, 0], sizes = [1, 4000], strides = [1, 1]} : vector<16x4000xf32> to vector<1x4000xf32>
    %mul3A_41 = vector.broadcast %slice3A_40 : vector<1x4000xf32> to vector<32x4000xf32>
    %mul3A_42 = arith.mulf %mul3A_41, %transpose3A : vector<32x4000xf32>
    %slice3A_43 = vector.extract_strided_slice %transpose3A_5 {offsets = [13, 0], sizes = [1, 4000], strides = [1, 1]} : vector<16x4000xf32> to vector<1x4000xf32>
    %mul3A_44 = vector.broadcast %slice3A_43 : vector<1x4000xf32> to vector<32x4000xf32>
    %mul3A_45 = arith.mulf %mul3A_44, %transpose3A : vector<32x4000xf32>
    %slice3A_46 = vector.extract_strided_slice %transpose3A_5 {offsets = [14, 0], sizes = [1, 4000], strides = [1, 1]} : vector<16x4000xf32> to vector<1x4000xf32>
    %mul3A_47 = vector.broadcast %slice3A_46 : vector<1x4000xf32> to vector<32x4000xf32>
    %mul3A_48 = arith.mulf %mul3A_47, %transpose3A : vector<32x4000xf32>
    %slice3A_49 = vector.extract_strided_slice %transpose3A_5 {offsets = [15, 0], sizes = [1, 4000], strides = [1, 1]} : vector<16x4000xf32> to vector<1x4000xf32>
    %mul3A_50 = vector.broadcast %slice3A_49 : vector<1x4000xf32> to vector<32x4000xf32>
    %mul3A_51 = arith.mulf %mul3A_50, %transpose3A : vector<32x4000xf32>
    %concatenate3A = tpu.concatenate %mul3A_6, %mul3A_9, %mul3A_12, %mul3A_15, %mul3A_18, %mul3A_21, %mul3A_24, %mul3A_27, %mul3A_30, %mul3A_33, %mul3A_36, %mul3A_39, %mul3A_42, %mul3A_45, %mul3A_48, %mul3A_51, %transpose3A in 0 : vector<32x4000xf32>, vector<32x4000xf32>, vector<32x4000xf32>, vector<32x4000xf32>, vector<32x4000xf32>, vector<32x4000xf32>, vector<32x4000xf32>, vector<32x4000xf32>, vector<32x4000xf32>, vector<32x4000xf32>, vector<32x4000xf32>, vector<32x4000xf32>, vector<32x4000xf32>, vector<32x4000xf32>, vector<32x4000xf32>, vector<32x4000xf32>, vector<32x4000xf32> -> vector<544x4000xf32>
    %get3A_52 = arith.constant 0 : index
    %get3A_53 = arith.constant 0 : index
    %get3A_54 = vector.load %arg3[%get3A_52, %get3A_53] : memref<32x544xf32, #tpu.memory_space<vmem>>, vector<32x544xf32>
    %dot_general3A = arith.constant dense<0.000000e+00> : vector<32x4000xf32>
    %dot_general3A_55 = tpu.matmul %get3A_54, %concatenate3A, %dot_general3A {dimension_numbers = #tpu.dot_dimension_numbers<[1], [0], [0], [1], [0, 0, 1, 1], [], []>, transpose_lhs_hint = false} : vector<32x544xf32>, vector<544x4000xf32>, vector<32x4000xf32> -> vector<32x4000xf32>
    %transpose3A_56 = tpu.transpose %dot_general3A_55, [1, 0] : vector<32x4000xf32> -> vector<4000x32xf32>
    %swap3A = arith.constant 0 : index
    %swap3A_57 = arith.constant 0 : index
    %swap3A_58 = vector.load %arg4[%swap3A, %swap3A_57] : memref<4000x32xf32, #tpu.memory_space<vmem>>, vector<4000x32xf32>
    tpu.vector_store %arg4[%swap3A, %swap3A_57], %transpose3A_56 {strides = array<i32>} : memref<4000x32xf32, #tpu.memory_space<vmem>>, vector<4000x32xf32>,
    return
  }
  func.func @transform_0(%arg0: i32) -> (i32, i32) {
    %c0_i32 = arith.constant 0 : i32
    %c0_i32_0 = arith.constant 0 : i32
    return %arg0, %c0_i32 : i32, i32
  }
  func.func @transform_1(%arg0: i32) -> (i32, i32) {
    %c0_i32 = arith.constant 0 : i32
    %c0_i32_0 = arith.constant 0 : i32
    return %arg0, %c0_i32 : i32, i32
  }
  func.func @transform_2(%arg0: i32) -> (i32, i32) {
    %c0_i32 = arith.constant 0 : i32
    %c0_i32_0 = arith.constant 0 : i32
    %c0_i32_1 = arith.constant 0 : i32
    return %c0_i32, %c0_i32_0 : i32, i32
  }
  func.func @transform_3(%arg0: i32) -> (i32, i32) {
    %c0_i32 = arith.constant 0 : i32
    %c0_i32_0 = arith.constant 0 : i32
    return %arg0, %c0_i32 : i32, i32
  }
}

module attributes {stable_mosaic.version = 14 : i64} {
  func.func @_final_body(%arg0: memref<2x10000x32xf32, #tpu.memory_space<vmem>>, %arg1: memref<2x10000x32xf32, #tpu.memory_space<vmem>>, %arg2: memref<10000x32xf32, #tpu.memory_space<vmem>>, %arg3: memref<32x32xf32, #tpu.memory_space<vmem>>, %arg4: memref<1x32xf32, #tpu.memory_space<vmem>>, %arg5: memref<1x32xf32, #tpu.memory_space<vmem>>, %arg6: memref<1x32xf32, #tpu.memory_space<vmem>>, %arg7: memref<10000x32xf32, #tpu.memory_space<vmem>>) attributes {dimension_semantics = [], scalar_prefetch = 0 : i64, scratch_operands = 0 : i64, tpu.core_type = #tpu.core_type<tc>} {
    %get3A = arith.constant 0 : index
    %get3A_0 = arith.constant 0 : index
    %get3A_1 = arith.constant 0 : index
    %get3A_2 = vector.load %arg0[%get3A, %get3A_0, %get3A_1] : memref<2x10000x32xf32, #tpu.memory_space<vmem>>, vector<1x10000x32xf32>
    %get3A_3 = vector.shape_cast %get3A_2 : vector<1x10000x32xf32> to vector<10000x32xf32>
    %get3A_4 = arith.constant 1 : index
    %get3A_5 = arith.constant 0 : index
    %get3A_6 = arith.constant 0 : index
    %get3A_7 = vector.load %arg0[%get3A_4, %get3A_5, %get3A_6] : memref<2x10000x32xf32, #tpu.memory_space<vmem>>, vector<1x10000x32xf32>
    %get3A_8 = vector.shape_cast %get3A_7 : vector<1x10000x32xf32> to vector<10000x32xf32>
    %add3A = arith.addf %get3A_3, %get3A_8 : vector<10000x32xf32>
    %get3A_9 = arith.constant 0 : index
    %get3A_10 = arith.constant 0 : index
    %get3A_11 = arith.constant 0 : index
    %get3A_12 = vector.load %arg1[%get3A_9, %get3A_10, %get3A_11] : memref<2x10000x32xf32, #tpu.memory_space<vmem>>, vector<1x10000x32xf32>
    %get3A_13 = vector.shape_cast %get3A_12 : vector<1x10000x32xf32> to vector<10000x32xf32>
    %get3A_14 = arith.constant 1 : index
    %get3A_15 = arith.constant 0 : index
    %get3A_16 = arith.constant 0 : index
    %get3A_17 = vector.load %arg1[%get3A_14, %get3A_15, %get3A_16] : memref<2x10000x32xf32, #tpu.memory_space<vmem>>, vector<1x10000x32xf32>
    %get3A_18 = vector.shape_cast %get3A_17 : vector<1x10000x32xf32> to vector<10000x32xf32>
    %add3A_19 = arith.addf %get3A_13, %get3A_18 : vector<10000x32xf32>
    %add3A_20 = arith.addf %add3A, %add3A_19 : vector<10000x32xf32>
    %get3A_21 = arith.constant 0 : index
    %get3A_22 = arith.constant 0 : index
    %get3A_23 = vector.load %arg2[%get3A_21, %get3A_22] : memref<10000x32xf32, #tpu.memory_space<vmem>>, vector<10000x32xf32>
    %get3A_24 = arith.constant 0 : index
    %get3A_25 = arith.constant 0 : index
    %get3A_26 = vector.load %arg3[%get3A_24, %get3A_25] : memref<32x32xf32, #tpu.memory_space<vmem>>, vector<32x32xf32>
    %dot_general3A = arith.constant dense<0.000000e+00> : vector<10000x32xf32>
    %dot_general3A_27 = tpu.matmul %get3A_23, %get3A_26, %dot_general3A {dimension_numbers = #tpu.dot_dimension_numbers<[1], [0], [0], [1], [0, 0, 1, 1], [], []>, precision = #tpu.contract_precision<fp32>, transpose_lhs_hint = false} : vector<10000x32xf32>, vector<32x32xf32>, vector<10000x32xf32> -> vector<10000x32xf32>
    %add3A_28 = arith.addf %add3A_20, %dot_general3A_27 : vector<10000x32xf32>
    %get3A_29 = arith.constant 0 : index
    %get3A_30 = arith.constant 0 : index
    %get3A_31 = vector.load %arg4[%get3A_29, %get3A_30] : memref<1x32xf32, #tpu.memory_space<vmem>>, vector<1x32xf32>
    %add3A_32 = vector.broadcast %get3A_31 : vector<1x32xf32> to vector<10000x32xf32>
    %add3A_33 = arith.addf %add3A_28, %add3A_32 : vector<10000x32xf32>
    %reduce_sum3A = arith.constant dense<0.000000e+00> : vector<32xf32>
    %reduce_sum3A_34 = vector.multi_reduction <add>, %add3A_33, %reduce_sum3A [0] : vector<10000x32xf32> to vector<32xf32>
    %broadcast_in_dim3A = vector.shape_cast %reduce_sum3A_34 : vector<32xf32> to vector<1x32xf32>
    %div3A = arith.constant 1.000000e+04 : f32
    %div3A_35 = vector.broadcast %div3A : f32 to vector<1x32xf32>
    %div3A_36 = arith.divf %broadcast_in_dim3A, %div3A_35 : vector<1x32xf32>
    %sub3A = vector.broadcast %div3A_36 : vector<1x32xf32> to vector<10000x32xf32>
    %sub3A_37 = arith.subf %add3A_33, %sub3A : vector<10000x32xf32>
    %mul3A = arith.mulf %sub3A_37, %sub3A_37 : vector<10000x32xf32>
    %reduce_sum3A_38 = arith.constant dense<0.000000e+00> : vector<32xf32>
    %reduce_sum3A_39 = vector.multi_reduction <add>, %mul3A, %reduce_sum3A_38 [0] : vector<10000x32xf32> to vector<32xf32>
    %broadcast_in_dim3A_40 = vector.shape_cast %reduce_sum3A_39 : vector<32xf32> to vector<1x32xf32>
    %div3A_41 = arith.constant 1.000000e+04 : f32
    %div3A_42 = vector.broadcast %div3A_41 : f32 to vector<1x32xf32>
    %div3A_43 = arith.divf %broadcast_in_dim3A_40, %div3A_42 : vector<1x32xf32>
    %add3A_44 = arith.constant 9.99999974E-6 : f32
    %add3A_45 = vector.broadcast %add3A_44 : f32 to vector<1x32xf32>
    %add3A_46 = arith.addf %div3A_43, %add3A_45 : vector<1x32xf32>
    %rsqrt3A = math.rsqrt %add3A_46 : vector<1x32xf32>
    %mul3A_47 = vector.broadcast %rsqrt3A : vector<1x32xf32> to vector<10000x32xf32>
    %mul3A_48 = arith.mulf %sub3A_37, %mul3A_47 : vector<10000x32xf32>
    %get3A_49 = arith.constant 0 : index
    %get3A_50 = arith.constant 0 : index
    %get3A_51 = vector.load %arg5[%get3A_49, %get3A_50] : memref<1x32xf32, #tpu.memory_space<vmem>>, vector<1x32xf32>
    %mul3A_52 = vector.broadcast %get3A_51 : vector<1x32xf32> to vector<10000x32xf32>
    %mul3A_53 = arith.mulf %mul3A_48, %mul3A_52 : vector<10000x32xf32>
    %get3A_54 = arith.constant 0 : index
    %get3A_55 = arith.constant 0 : index
    %get3A_56 = vector.load %arg6[%get3A_54, %get3A_55] : memref<1x32xf32, #tpu.memory_space<vmem>>, vector<1x32xf32>
    %add3A_57 = vector.broadcast %get3A_56 : vector<1x32xf32> to vector<10000x32xf32>
    %add3A_58 = arith.addf %mul3A_53, %add3A_57 : vector<10000x32xf32>
    %ge3A = arith.constant 0.000000e+00 : f32
    %ge3A_59 = vector.broadcast %ge3A : f32 to vector<10000x32xf32>
    %ge3A_60 = arith.cmpf oge, %add3A_58, %ge3A_59 : vector<10000x32xf32>
    %mul3A_61 = arith.constant 0.00999999977 : f32
    %mul3A_62 = vector.broadcast %mul3A_61 : f32 to vector<10000x32xf32>
    %mul3A_63 = arith.mulf %mul3A_62, %add3A_58 : vector<10000x32xf32>
    %select_n3A = arith.select %ge3A_60, %add3A_58, %mul3A_63 : vector<10000x32xi1>, vector<10000x32xf32>
    %swap3A = arith.constant 0 : index
    %swap3A_64 = arith.constant 0 : index
    %swap3A_65 = vector.load %arg7[%swap3A, %swap3A_64] : memref<10000x32xf32, #tpu.memory_space<vmem>>, vector<10000x32xf32>
    tpu.vector_store %arg7[%swap3A, %swap3A_64], %select_n3A {strides = array<i32>} : memref<10000x32xf32, #tpu.memory_space<vmem>>, vector<10000x32xf32>,
    return
  }
}

</mosaic_0001>

<sc_bundles>
// kernel: kernel.12.cloned.1.call-start
scs
__scs_entry_jumppad:
0x0: {  	(pc) =	sbr.rel $0x88, $3  }
0x1: {  	(tag) =	ssettag $0x0;
	lr =	simm.s32 $0x1  }
0x2: {  	[smem:$0x3F98] =	sst lr;
	_ =	strace $0xD0000000  }
0x3: {  	_ = 	snop  }
0x4: {  	_ = 	snop  }
0x5: {  	_ = 	snop  }
0x6: {  	_ = 	snop  }
0x7: {  	_ = 	snop  }
__scs_overlays_trampoline_lowered:
0x8: {  	[smem:$0x3FA7] =	sst s0  }
0x9: {  	[smem:$0x3FA8] =	sst s1  }
0xa: {  	[smem:$0x3FA9] =	sst s2  }
0xb: {  	[smem:$0x3FAA] =	sst s3  }
0xc: {  	[smem:$0x3FAB] =	sst s4  }
0xd: {  	[smem:$0x3FAC] =	sst s5  }
0xe: {  	[smem:$0x3FAD] =	sst s6  }
0xf: {  	[smem:$0x3FAE] =	sst s7  }
0x10: {  	[smem:$0x3FAF] =	sst s8  }
0x11: {  	[smem:$0x3FB0] =	sst s9;
	s0 =	simm.s32 @!p0 $0x0  }
0x12: {  	s1 =	sld [smem:$0x3F96];
	s0 =	simm.s32 @p0 $0x1  }
0x13: {  	[smem:$0x3FB1] =	sst s0;
	s0 =	simm.s32 @!p1 $0x0  }
0x14: {  	s2 =	sld [smem:$0x3F95];
	s0 =	simm.s32 @p1 $0x1  }
0x15: {  	[smem:$0x3FB2] =	sst s0;
	s0 =	simm.s32 @!p2 $0x0  }
0x16: {  	s3 =	sld [smem:$0x3FDB];
	s0 =	simm.s32 @p2 $0x1  }
0x17: {  	s4 =	simm.s32 $0x1BF5;
	[smem:$0x3FB4] =	sst s0  }
0x18: {  	s0 =	sld [smem:$0x3F97];
	_ =	swait.ge [sflag:s4], $0x0  }
0x19: {  	s7 =	sld [smem:$0x3F98]  }
0x1a: {  	s8 =	sadd.s32 $0xFFFFE003, lr  }
0x1b: {  	s9 =	sadd.s32 $0xFFFFFEF7, lr;
	s5 =	simm.s32 $0xFFFFFFFF;
	p2 =	slt.u32 s8, $0xFFFFF086  }
0x1c: {  	p1 =	slt.u32 s9, $0xF7A;
	s5 =	simm.s32 @!p2 $0x0  }
0x1d: {  	s5 =	simm.s32 @p1 $0x1;
	p0 =	seq.s32 s7, s2  }
0x1e: {  	s7 =	smul.u32 @!p0 $0xF7A, s2;
	p2 =	seq.s32 @!p0 s5, $0x0  }
0x1f: {  	s9 =	smul.u32 $0xF7A, s1;
	s8 =	simm.s32 @!p0 $0x1BF5;
	p2 =	por !p2, p0  }
0x20: {  	[sflag:s8] =	ssyncset.s32 @!p0 $0xFFFFF086;
	s6 =	sadd.s32 @!p0 s3, s7;
	s7 =	simm.s32 @!p0 $0x108  }
0x21: {  	s3 =	sadd.s32 s3, s9;
	s6 =	sadd.s32 @!p0 $0x88, s6;
	s7 =	simm.s32 @p2 $0x1082  }
0x22: {  	[simem:s7], [sflag:s8] =	dma.local @!p0 [hbm:s6], $0xF7A  }
0x23: {  	s9 =	sor.u32 $0xD0000000, s2;
	s6 =	simm.s32 $0x108;
	_ =	swait.ge @!p0 [sflag:s8], $0x0  }
0x24: {  	s3 =	sadd.s32 $0x88, s3;
	s6 =	simm.s32 @!p1 $0x1082;
	[sflag:s4] =	ssyncset.s32 $0xFFFFF086  }
0x25: {  	[simem:s6], [sflag:s4] =	dma.local [hbm:s3], $0xF7A  }
0x26: {  	[smem:$0x3F98] =	sst s1;
	(tag) =	ssettag s2;
	_ =	strace s9  }
0x27: {  	s1 =	sld [smem:$0x3FA8]  }
0x28: {  	s2 =	sld [smem:$0x3FA9]  }
0x29: {  	s4 =	sld [smem:$0x3FAB]  }
0x2a: {  	p0 =	seq.s32 s5, $0x0;
	s5 =	sld [smem:$0x3FAC]  }
0x2b: {  	s6 =	sld [smem:$0x3FAD]  }
0x2c: {  	s7 =	sld [smem:$0x3FAE]  }
0x2d: {  	s3 =	simm.s32 $0x108;
	s8 =	sld [smem:$0x3FAF]  }
0x2e: {  	s3 =	simm.s32 @!p0 $0x1082;
	s9 =	sld [smem:$0x3FB0]  }
0x2f: {  	lr =	sadd.s32 s0, s3;
	s0 =	sld [smem:$0x3FA7]  }
0x30: {  	s3 =	sld [smem:$0x3FAA]  }
0x31: {  	[smem:$0x3FB3] =	sst s10  }
0x32: {  	s10 =	sld [smem:$0x3FB1];
	_ =	sdelay $0x3  }
0x33: {  	p0 =	seq.s32 s10, $0x1;
	s10 =	sld [smem:$0x3FB3];
	_ =	sdelay $0x3  }
0x34: {  	[smem:$0x3FB3] =	sst s10  }
0x35: {  	s10 =	sld [smem:$0x3FB2];
	_ =	sdelay $0x3  }
0x36: {  	p1 =	seq.s32 s10, $0x1;
	s10 =	sld [smem:$0x3FB3];
	_ =	sdelay $0x3  }
0x37: {  	[smem:$0x3FB3] =	sst s10  }
0x38: {  	s10 =	sld [smem:$0x3FB4]  }
0x39: {  	_ = 	snop;
	(pc) =	sbr.ind lr, $3  }
0x3a: {  	_ = 	snop  }
0x3b: {  	_ = 	snop  }
0x3c: {  	p2 =	seq.s32 s10, $0x1;
	s10 =	sld [smem:$0x3FB3]  }
0x3d: {  	_ =	shalt  }
0x3e: {  	_ =	shalt  }
0x3f: {  	_ =	shalt  }
0x40: {  	_ =	shalt  }
0x41: {  	_ =	shalt  }
0x42: {  	_ =	shalt  }
0x43: {  	_ =	shalt  }
0x44: {  	_ =	shalt  }
0x45: {  	_ =	shalt  }
0x46: {  	_ =	shalt  }
0x47: {  	_ =	shalt  }
0x48: {  	_ =	shalt  }
0x49: {  	_ =	shalt  }
0x4a: {  	_ =	shalt  }
0x4b: {  	_ =	shalt  }
0x4c: {  	_ =	shalt  }
0x4d: {  	_ =	shalt  }
0x4e: {  	_ =	shalt  }
0x4f: {  	_ =	shalt  }
0x50: {  	_ =	shalt  }
0x51: {  	_ =	shalt  }
0x52: {  	_ =	shalt  }
0x53: {  	_ =	shalt  }
0x54: {  	_ =	shalt  }
0x55: {  	_ =	shalt  }
0x56: {  	_ =	shalt  }
0x57: {  	_ =	shalt  }
0x58: {  	_ =	shalt  }
0x59: {  	_ =	shalt  }
0x5a: {  	_ =	shalt  }
0x5b: {  	_ =	shalt  }
0x5c: {  	_ =	shalt  }
0x5d: {  	_ =	shalt  }
0x5e: {  	_ =	shalt  }
0x5f: {  	_ =	shalt  }
0x60: {  	_ =	shalt  }
0x61: {  	_ =	shalt  }
0x62: {  	_ =	shalt  }
0x63: {  	_ =	shalt  }
0x64: {  	_ =	shalt  }
0x65: {  	_ =	shalt  }
0x66: {  	_ =	shalt  }
0x67: {  	_ =	shalt  }
0x68: {  	_ =	shalt  }
0x69: {  	_ =	shalt  }
0x6a: {  	_ =	shalt  }
0x6b: {  	_ =	shalt  }
0x6c: {  	_ =	shalt  }
0x6d: {  	_ =	shalt  }
0x6e: {  	_ =	shalt  }
0x6f: {  	_ =	shalt  }
0x70: {  	_ =	shalt  }
0x71: {  	_ =	shalt  }
0x72: {  	_ =	shalt  }
0x73: {  	_ =	shalt  }
0x74: {  	_ =	shalt  }
0x75: {  	_ =	shalt  }
0x76: {  	_ =	shalt  }
0x77: {  	_ =	shalt  }
0x78: {  	_ =	shalt  }
0x79: {  	_ =	shalt  }
0x7a: {  	_ =	shalt  }
0x7b: {  	_ =	shalt  }
0x7c: {  	_ =	shalt  }
0x7d: {  	_ =	shalt  }
0x7e: {  	_ =	shalt  }
0x7f: {  	_ =	shalt  }
0x80: {  	_ =	shalt  }
0x81: {  	_ =	shalt  }
0x82: {  	_ =	shalt  }
0x83: {  	_ =	shalt  }
0x84: {  	_ =	shalt  }
0x85: {  	_ =	shalt  }
0x86: {  	_ =	shalt  }
0x87: {  	_ =	shalt  }
.Lfunc_end0:
.L_simem_size_0:
called_computation.1_lowered:
.L_overlay_start_0:
0x88: {  	s2 =	sld [smem:$0x3FD9]  }
0x89: {  	s3 =	sld [smem:$0x3FFE];
	_ =	sdelay $0x1  }
0x8a: {  	s1 =	srdreg.scid  }
0x8b: {  	s0 =	sand.u32 $0x1, s1  }
0x8c: {  	s17 =	sshll.u32 s0, $0xA;
	s2 =	sadd.s32 s3, s2  }
0x8d: {  	s2 =	sadd.s32 s2, s17  }
0x8e: {  	[smem:$0x3FBF] =	sst s2  }
0x8f: {  	_ = 	snop  }
0x90: {  	s2 =	sld [smem:$0x3FD0];
	(tm) =	ssettm $0x1  }
0x91: {  	s18 =	sld [smem:$0x3FFB];
	_ =	sdelay $0x3  }
0x92: {  	_ =	strace s18  }
0x93: {  	s3 =	sld [smem:$0x3FFC];
	_ =	sdelay $0x3  }
0x94: {  	_ =	strace s3  }
0x95: {  	s3 =	sld [smem:$0x3FFD];
	_ =	sdelay $0x3  }
0x96: {  	_ =	strace s3  }
0x97: {  	_ =	strace $0x8FFFFFFF  }
0x98: {  	s19 =	sld [smem:$0x3FDB];
	_ =	sdelay $0x1  }
0x99: {  	s4 =	simm.s32 $_scs_section_size  }
0x9a: {  	s5 =	simm.s32 $_size__tile_overlayer_lowered;
	s6 =	simm.s32 $_tile_overlayer_lowered  }
0x9b: {  	s22 =	simm.s32 $0x1BFF;
	s21 =	sshll.u32 s6, $0x1;
	s3 =	sadd.s32 s4, s19  }
0x9c: {  	s7 =	simm.s32 $0x0;
	s20 =	sshll.u32 s5, $0x1;
	s5 =	sadd.s32 s21, s3  }
0x9d: {  	[timem:s7], [sflag:s22] =	dma.local [hbm:s5], s20  }
0x9e: {  	_ =	swait.ge [sflag:s22], s20  }
0x9f: {  	s4 =	ssub.s32 $0x0, s20;
	[sflag:s22] =	ssyncset.done $0x0  }
0xa0: {  	[sflag:s22] =	ssyncadd.s32 s4;
	_ =	sdelay $0x1  }
0xa1: {  	s23 =	simm.s32 $0x1B8B  }
0xa2: {  	_ =	swait.ge [sflag:s23], $0x1  }
0xa3: {  	[sflag:s23] =	ssyncset.done $0x0  }
0xa4: {  	s25 =	simm.s32 $0x1B8E;
	s24 =	sld [smem:$0x3FFE];
	[sflag:s23] =	ssyncadd.s32 $0xFFFFFFFF  }
0xa5: {  	s26 =	simm.s32 $execute0_lowered;
	[smem:$0x3FD2] =	sst s25  }
0xa6: {  	s5 =	sshll.u32 s26, $0x1;
	_ =	strace $0x80000046;
	[dreg:$0x1] =	wrdreg $0xFFFFFFFF  }
0xa7: {  	s28 =	simm.s32 $_size_execute0_lowered;
	s3 =	sadd.s32 s3, s5;
	[dreg:$0x0] =	wrdreg $0x0  }
0xa8: {  	s5 =	sshll.u32 s28, $0x1;
	[dreg:$0x2] =	wrdreg s3  }
0xa9: {  	[dreg:$0x3] =	wrdreg s5  }
0xaa: {  	[dreg:$0x4] =	wrdreg $0xC0  }
0xab: {  	_ =	task [dreg:s7], $0x5FFFF  }
0xac: {  	[dreg:$0x1] =	wrdreg $0xFFFFFFFF  }
0xad: {  	[dreg:$0x0] =	wrdreg $0x60  }
0xae: {  	[dreg:$0x2] =	wrdreg s2  }
0xaf: {  	[dreg:$0x3] =	wrdreg s24  }
0xb0: {  	[dreg:$0x4] =	wrdreg $0xA  }
0xb1: {  	_ =	task.clear_ibuf [dreg:s7], $0x5FFFF;
	_ =	strace $0x90000046  }
0xb2: {  	s29 =	simm.s32 $0xA;
	_ =	strace $0x80000048  }
0xb3: {  	_ =	swait.ge [sflag:s29], $0x1  }
0xb4: {  	[sflag:s29] =	ssyncadd.s32 $0xFFFFFFFF  }
0xb5: {  	_ =	strace $0x90000048  }
0xb6: {  	_ =	sfence  }
0xb7: {  	s30 =	sld [smem:$0x0];
	_ =	sdelay $0x2  }
0xb8: {  	s31 =	sshll.u32 s1, $0xD;
	s1 =	sshrl.u32 s1, $0x2  }
0xb9: {  	s3 =	sand.u32 $0x4000, s31;
	s1 =	sadd.s32 s1, s30  }
0xba: {  	s0 =	sor.u32 s3, s0;
	s1 =	sshll.u32 s1, $0x11  }
0xbb: {  	s0 =	sor.u32 s1, s0  }
0xbc: {  	s0 =	sadd.s32 $0x8F2B, s0  }
0xbd: {  	[sflag:s0] =	ssyncadd.remote.s32 $0x1  }
0xbe: {  	_ =	sfence.sel $0xFFFF  }
0xbf: {  	[dreg:$0x0] =	wrdreg $0xFFFFFFFF;
	(pc) =	sbr.abs _section_cstart, $3  }
0xc0: {  	[dreg:$0x1] =	wrdreg $0xFFFFFFFF  }
0xc1: {  	_ =	task.clear_ibuf [dreg:s7], $0x2FFFF;
	_ =	strace $0x9FFFFFFF  }
0xc2: {  	(tm) =	ssettm $0x7FFFFFFF  }
0xc3: {  	_ =	shalt  }
tec
execute0_lowered:
.L_overlay_start_1:
0x0: {  	(tag) =	ssettag $0x1  }
0x1: {  	s1 =	srdreg.scid;
	s0 =	stileid.u32  }
0x2: {  	s10 =	sand.u32 $0x1, s1;
	s31 =	sshll.u32 s0, $0x1  }
0x3: {  	s2 =	rddreg [dreg:$0x0];
	s6 =	sor.u32 s10, s31  }
0x4: {  	s9 =	rddreg [dreg:$0x1];
	s4 =	smul.u32 $0x13A, s6  }
0x5: {  	s3 =	simm.s32 $0x0;
	s1 =	rddreg [dreg:$0x2]  }
0x6: {  	[smem:$0x7FF] =	sst s3;
	s4 =	sadd.s32 s4, s9  }
0x7: {  	_ =	strace $0x80000047;
	s5 =	sadd.s32 $0x29600, s4;
	s4 =	simm.s32 $0x2  }
0x8: {  	[tilespmem:s3], [sflag:$0x2] =	stream.linear.gather [hbm4b:s5+s3], $0x9D0, $0x38;
	[tilespmem:$0xA610] =	vst v63  }
0x9: {  	_ =	swait.ge [sflag:s4], $0x9D0  }
0xa: {  	s7 =	simm.s32 $0x9D0;
	s8 =	simm.s32 $0x1;
	[sflag:s4] =	ssyncset.done $0x0  }
0xb: {  	s11 =	smul.u32 $0x2710, s6;
	s6 =	simm.s32 $0x4E2;
	[sflag:s4] =	ssyncadd.s32 $0xFFFFF630  }
0xc: {  	[tilespmem:s7], [sflag:$0x1] =	stream.indirect.gather [hbm4b:s2+s6], $0x20, s3, s6, $0xb8;
	[tilespmem:$0xA610] =	vst v63  }
0xd: {  	_ =	swait.ge [sflag:s8], $0x9C40  }
0xe: {  	s11 =	sadd.s32 s11, s9;
	[sflag:s8] =	ssyncset.done $0x0  }
0xf: {  	s12 =	ssub.s32 $0x2, s10;
	s9 =	sadd.s32 $0x2BE00, s11;
	[sflag:s8] =	ssyncadd.s32 $0xFFFF63C0  }
0x10: {  	[hbm4b:s9+s3] =	stream.linear.scatter [tilespmem:s7], [sflag:$0x2], $0x9C40, $0x38;
	[tilespmem:$0xA610] =	vst v63  }
0x11: {  	s13 =	sshrl.u32 s12, $0x1;
	_ =	swait.ge [sflag:s4], $0x9C40  }
0x12: {  	s12 =	ssub.s32 s12, s13;
	[sflag:s4] =	ssyncset.done $0x0  }
0x13: {  	s10 =	simm.s32 $0x4E8;
	s12 =	smax.u32 s12, $0x1;
	[sflag:s4] =	ssyncadd.s32 $0xFFFF63C0  }
0x14: {  	[tilespmem:s7], [sflag:$0x1] =	stream.indirect.gather [hbm4b:s2+s6], $0x20, s10, s6, $0xb8;
	[tilespmem:$0xA610] =	vst v63  }
0x15: {  	p0 =	sne.s32 s12, $0x1;
	_ =	swait.ge [sflag:s8], $0x9C40  }
.Ltmp0:
0x16: {  	[sflag:s8] =	ssyncset.done $0x0;
	(pc) =	sbr.rel @!p0 .LBB2_2-.Ltmp0, $4  }
0x17: {  	s11 =	sadd.s32 $0x2D188, s11;
	[sflag:s8] =	ssyncadd.s32 $0xFFFF63C0  }
0x18: {  	[hbm4b:s11+s3] =	stream.linear.scatter [tilespmem:s7], [sflag:$0x2], $0x9C40, $0x38;
	[tilespmem:$0xA610] =	vst v63  }
0x19: {  	_ =	swait.ge [sflag:s4], $0x9C40  }
0x1a: {  	s12 =	sadd.s32 $0xFFFFFFFF, s12;
	[sflag:s4] =	ssyncset.done $0x0  }
.LBB2_1:
0x1b: {  	p0 =	sne.s32 s12, $0x1;
	s12 =	sadd.s32 $0xFFFFFFFF, s12;
	[sflag:s4] =	ssyncadd.s32 $0xFFFF63C0  }
0x1c: {  	[tilespmem:s3], [sflag:$0x2] =	stream.linear.gather [hbm4b:s5+s3], $0x9D0, $0x38;
	[tilespmem:$0xA610] =	vst v63  }
0x1d: {  	_ =	swait.ge [sflag:s4], $0x9D0  }
0x1e: {  	[sflag:s4] =	ssyncset.done $0x0  }
0x1f: {  	[sflag:s4] =	ssyncadd.s32 $0xFFFFF630  }
0x20: {  	[tilespmem:s7], [sflag:$0x1] =	stream.indirect.gather [hbm4b:s2+s6], $0x20, s3, s6, $0xb8;
	[tilespmem:$0xA610] =	vst v63  }
0x21: {  	_ =	swait.ge [sflag:s8], $0x9C40  }
0x22: {  	[sflag:s8] =	ssyncset.done $0x0  }
0x23: {  	[sflag:s8] =	ssyncadd.s32 $0xFFFF63C0  }
0x24: {  	[hbm4b:s9+s3] =	stream.linear.scatter [tilespmem:s7], [sflag:$0x2], $0x9C40, $0x38;
	[tilespmem:$0xA610] =	vst v63  }
0x25: {  	_ =	swait.ge [sflag:s4], $0x9C40  }
0x26: {  	[sflag:s4] =	ssyncset.done $0x0  }
0x27: {  	[sflag:s4] =	ssyncadd.s32 $0xFFFF63C0  }
0x28: {  	[tilespmem:s7], [sflag:$0x1] =	stream.indirect.gather [hbm4b:s2+s6], $0x20, s10, s6, $0xb8;
	[tilespmem:$0xA610] =	vst v63  }
0x29: {  	_ =	swait.ge [sflag:s8], $0x9C40  }
.Ltmp1:
0x2a: {  	[sflag:s8] =	ssyncset.done $0x0;
	(pc) =	sbr.rel @p0 .LBB2_1-.Ltmp1, $4  }
0x2b: {  	[sflag:s8] =	ssyncadd.s32 $0xFFFF63C0  }
0x2c: {  	[hbm4b:s11+s3] =	stream.linear.scatter [tilespmem:s7], [sflag:$0x2], $0x9C40, $0x38;
	[tilespmem:$0xA610] =	vst v63  }
0x2d: {  	_ =	swait.ge [sflag:s4], $0x9C40  }
0x2e: {  	[sflag:s4] =	ssyncset.done $0x0  }
.LBB2_2:
0x2f: {  	[sflag:s4] =	ssyncadd.s32 $0xFFFF63C0  }
0x30: {  	_ =	sfence.sel $0x180000  }
0x31: {  	[bflag:$0x0] =	sbarrier.arrive $0xFFFF  }
0x32: {  	p0 =	sne.s32 s0, $0x0;
	_ =	strace $0x90000047  }
0x33: {  	s0 =	sadd.s32 @!p0 $0x100000, s1;
	[bflag:$0x2] =	sbarrier.arrive $0xFFFF  }
0x34: {  	[sflag:s0] =	ssyncadd.tile.s32 @!p0 $0x1;
	_ =	shalt  }
.Lfunc_end2:
_tile_overlayer_lowered:
.L_overlay_start_2:
0x35: {  	(tag) =	ssettag $0x2  }
0x36: {  	s0 =	rddreg [dreg:$0x0];
	s2 =	stileid.u32  }
0x37: {  	s1 =	rddreg [dreg:$0x1];
	p0 =	sne.s32 s2, $0x0  }
0x38: {  	s3 =	rddreg [dreg:$0x2];
	[bflag:$0x3] =	sbarrier.arrive $0xFFFF;
	s2 =	simm.s32 @!p0 $0x1C02  }
0x39: {  	[timem:s3], [sflag:s2] =	dma.local @!p0 [hbm:s0], s1  }
0x3a: {  	s0 =	simm.s32 @!p0 $0x2  }
0x3b: {  	_ =	swait.ge @!p0 [sflag:s0], s1  }
0x3c: {  	s1 =	ssub.s32 @!p0 $0x0, s1;
	[sflag:s0] =	ssyncset.done @!p0 $0x0  }
0x3d: {  	[sflag:s0] =	ssyncadd.s32 @!p0 s1  }
0x3e: {  	[bflag:$0x3] =	sbarrier.arrive $0xFFFF  }
0x3f: {  	_ =	shalt  }

// kernel: kernel.15.cloned.1.call-start
scs
__scs_entry_jumppad:
0x0: {  	(pc) =	sbr.rel $0x88, $3  }
0x1: {  	(tag) =	ssettag $0x0;
	lr =	simm.s32 $0x1  }
0x2: {  	[smem:$0x3F98] =	sst lr;
	_ =	strace $0xD0000000  }
0x3: {  	_ = 	snop  }
0x4: {  	_ = 	snop  }
0x5: {  	_ = 	snop  }
0x6: {  	_ = 	snop  }
0x7: {  	_ = 	snop  }
__scs_overlays_trampoline_lowered:
0x8: {  	[smem:$0x3FA7] =	sst s0  }
0x9: {  	[smem:$0x3FA8] =	sst s1  }
0xa: {  	[smem:$0x3FA9] =	sst s2  }
0xb: {  	[smem:$0x3FAA] =	sst s3  }
0xc: {  	[smem:$0x3FAB] =	sst s4  }
0xd: {  	[smem:$0x3FAC] =	sst s5  }
0xe: {  	[smem:$0x3FAD] =	sst s6  }
0xf: {  	[smem:$0x3FAE] =	sst s7  }
0x10: {  	[smem:$0x3FAF] =	sst s8  }
0x11: {  	[smem:$0x3FB0] =	sst s9;
	s0 =	simm.s32 @!p0 $0x0  }
0x12: {  	s1 =	sld [smem:$0x3F96];
	s0 =	simm.s32 @p0 $0x1  }
0x13: {  	[smem:$0x3FB1] =	sst s0;
	s0 =	simm.s32 @!p1 $0x0  }
0x14: {  	s2 =	sld [smem:$0x3F95];
	s0 =	simm.s32 @p1 $0x1  }
0x15: {  	[smem:$0x3FB2] =	sst s0;
	s0 =	simm.s32 @!p2 $0x0  }
0x16: {  	s3 =	sld [smem:$0x3FDB];
	s0 =	simm.s32 @p2 $0x1  }
0x17: {  	s4 =	simm.s32 $0x1BF5;
	[smem:$0x3FB4] =	sst s0  }
0x18: {  	s0 =	sld [smem:$0x3F97];
	_ =	swait.ge [sflag:s4], $0x0  }
0x19: {  	s7 =	sld [smem:$0x3F98]  }
0x1a: {  	s8 =	sadd.s32 $0xFFFFE003, lr  }
0x1b: {  	s9 =	sadd.s32 $0xFFFFFEF7, lr;
	s5 =	simm.s32 $0xFFFFFFFF;
	p2 =	slt.u32 s8, $0xFFFFF086  }
0x1c: {  	p1 =	slt.u32 s9, $0xF7A;
	s5 =	simm.s32 @!p2 $0x0  }
0x1d: {  	s5 =	simm.s32 @p1 $0x1;
	p0 =	seq.s32 s7, s2  }
0x1e: {  	s7 =	smul.u32 @!p0 $0xF7A, s2;
	p2 =	seq.s32 @!p0 s5, $0x0  }
0x1f: {  	s9 =	smul.u32 $0xF7A, s1;
	s8 =	simm.s32 @!p0 $0x1BF5;
	p2 =	por !p2, p0  }
0x20: {  	[sflag:s8] =	ssyncset.s32 @!p0 $0xFFFFF086;
	s6 =	sadd.s32 @!p0 s3, s7;
	s7 =	simm.s32 @!p0 $0x108  }
0x21: {  	s3 =	sadd.s32 s3, s9;
	s6 =	sadd.s32 @!p0 $0x88, s6;
	s7 =	simm.s32 @p2 $0x1082  }
0x22: {  	[simem:s7], [sflag:s8] =	dma.local @!p0 [hbm:s6], $0xF7A  }
0x23: {  	s9 =	sor.u32 $0xD0000000, s2;
	s6 =	simm.s32 $0x108;
	_ =	swait.ge @!p0 [sflag:s8], $0x0  }
0x24: {  	s3 =	sadd.s32 $0x88, s3;
	s6 =	simm.s32 @!p1 $0x1082;
	[sflag:s4] =	ssyncset.s32 $0xFFFFF086  }
0x25: {  	[simem:s6], [sflag:s4] =	dma.local [hbm:s3], $0xF7A  }
0x26: {  	[smem:$0x3F98] =	sst s1;
	(tag) =	ssettag s2;
	_ =	strace s9  }
0x27: {  	s1 =	sld [smem:$0x3FA8]  }
0x28: {  	s2 =	sld [smem:$0x3FA9]  }
0x29: {  	s4 =	sld [smem:$0x3FAB]  }
0x2a: {  	p0 =	seq.s32 s5, $0x0;
	s5 =	sld [smem:$0x3FAC]  }
0x2b: {  	s6 =	sld [smem:$0x3FAD]  }
0x2c: {  	s7 =	sld [smem:$0x3FAE]  }
0x2d: {  	s3 =	simm.s32 $0x108;
	s8 =	sld [smem:$0x3FAF]  }
0x2e: {  	s3 =	simm.s32 @!p0 $0x1082;
	s9 =	sld [smem:$0x3FB0]  }
0x2f: {  	lr =	sadd.s32 s0, s3;
	s0 =	sld [smem:$0x3FA7]  }
0x30: {  	s3 =	sld [smem:$0x3FAA]  }
0x31: {  	[smem:$0x3FB3] =	sst s10  }
0x32: {  	s10 =	sld [smem:$0x3FB1];
	_ =	sdelay $0x3  }
0x33: {  	p0 =	seq.s32 s10, $0x1;
	s10 =	sld [smem:$0x3FB3];
	_ =	sdelay $0x3  }
0x34: {  	[smem:$0x3FB3] =	sst s10  }
0x35: {  	s10 =	sld [smem:$0x3FB2];
	_ =	sdelay $0x3  }
0x36: {  	p1 =	seq.s32 s10, $0x1;
	s10 =	sld [smem:$0x3FB3];
	_ =	sdelay $0x3  }
0x37: {  	[smem:$0x3FB3] =	sst s10  }
0x38: {  	s10 =	sld [smem:$0x3FB4]  }
0x39: {  	_ = 	snop;
	(pc) =	sbr.ind lr, $3  }
0x3a: {  	_ = 	snop  }
0x3b: {  	_ = 	snop  }
0x3c: {  	p2 =	seq.s32 s10, $0x1;
	s10 =	sld [smem:$0x3FB3]  }
0x3d: {  	_ =	shalt  }
0x3e: {  	_ =	shalt  }
0x3f: {  	_ =	shalt  }
0x40: {  	_ =	shalt  }
0x41: {  	_ =	shalt  }
0x42: {  	_ =	shalt  }
0x43: {  	_ =	shalt  }
0x44: {  	_ =	shalt  }
0x45: {  	_ =	shalt  }
0x46: {  	_ =	shalt  }
0x47: {  	_ =	shalt  }
0x48: {  	_ =	shalt  }
0x49: {  	_ =	shalt  }
0x4a: {  	_ =	shalt  }
0x4b: {  	_ =	shalt  }
0x4c: {  	_ =	shalt  }
0x4d: {  	_ =	shalt  }
0x4e: {  	_ =	shalt  }
0x4f: {  	_ =	shalt  }
0x50: {  	_ =	shalt  }
0x51: {  	_ =	shalt  }
0x52: {  	_ =	shalt  }
0x53: {  	_ =	shalt  }
0x54: {  	_ =	shalt  }
0x55: {  	_ =	shalt  }
0x56: {  	_ =	shalt  }
0x57: {  	_ =	shalt  }
0x58: {  	_ =	shalt  }
0x59: {  	_ =	shalt  }
0x5a: {  	_ =	shalt  }
0x5b: {  	_ =	shalt  }
0x5c: {  	_ =	shalt  }
0x5d: {  	_ =	shalt  }
0x5e: {  	_ =	shalt  }
0x5f: {  	_ =	shalt  }
0x60: {  	_ =	shalt  }
0x61: {  	_ =	shalt  }
0x62: {  	_ =	shalt  }
0x63: {  	_ =	shalt  }
0x64: {  	_ =	shalt  }
0x65: {  	_ =	shalt  }
0x66: {  	_ =	shalt  }
0x67: {  	_ =	shalt  }
0x68: {  	_ =	shalt  }
0x69: {  	_ =	shalt  }
0x6a: {  	_ =	shalt  }
0x6b: {  	_ =	shalt  }
0x6c: {  	_ =	shalt  }
0x6d: {  	_ =	shalt  }
0x6e: {  	_ =	shalt  }
0x6f: {  	_ =	shalt  }
0x70: {  	_ =	shalt  }
0x71: {  	_ =	shalt  }
0x72: {  	_ =	shalt  }
0x73: {  	_ =	shalt  }
0x74: {  	_ =	shalt  }
0x75: {  	_ =	shalt  }
0x76: {  	_ =	shalt  }
0x77: {  	_ =	shalt  }
0x78: {  	_ =	shalt  }
0x79: {  	_ =	shalt  }
0x7a: {  	_ =	shalt  }
0x7b: {  	_ =	shalt  }
0x7c: {  	_ =	shalt  }
0x7d: {  	_ =	shalt  }
0x7e: {  	_ =	shalt  }
0x7f: {  	_ =	shalt  }
0x80: {  	_ =	shalt  }
0x81: {  	_ =	shalt  }
0x82: {  	_ =	shalt  }
0x83: {  	_ =	shalt  }
0x84: {  	_ =	shalt  }
0x85: {  	_ =	shalt  }
0x86: {  	_ =	shalt  }
0x87: {  	_ =	shalt  }
.Lfunc_end0:
.L_simem_size_0:
called_computation.2_lowered:
.L_overlay_start_0:
0x88: {  	s2 =	sld [smem:$0x3FD9]  }
0x89: {  	s3 =	sld [smem:$0x3FFE];
	_ =	sdelay $0x1  }
0x8a: {  	s1 =	srdreg.scid  }
0x8b: {  	s0 =	sand.u32 $0x1, s1  }
0x8c: {  	s17 =	sshll.u32 s0, $0xA;
	s2 =	sadd.s32 s3, s2  }
0x8d: {  	s2 =	sadd.s32 s2, s17  }
0x8e: {  	[smem:$0x3FBF] =	sst s2  }
0x8f: {  	_ = 	snop  }
0x90: {  	(tm) =	ssettm $0x1  }
0x91: {  	s18 =	sld [smem:$0x3FFB];
	_ =	sdelay $0x3  }
0x92: {  	_ =	strace s18  }
0x93: {  	s2 =	sld [smem:$0x3FFC];
	_ =	sdelay $0x3  }
0x94: {  	_ =	strace s2  }
0x95: {  	s2 =	sld [smem:$0x3FFD];
	_ =	sdelay $0x3  }
0x96: {  	_ =	strace s2  }
0x97: {  	_ =	strace $0x8FFFFFFF  }
0x98: {  	s19 =	sld [smem:$0x3FDB];
	_ =	sdelay $0x1  }
0x99: {  	s20 =	simm.s32 $_scs_section_size  }
0x9a: {  	s4 =	simm.s32 $_size__tile_overlayer_lowered;
	s5 =	simm.s32 $_tile_overlayer_lowered  }
0x9b: {  	s6 =	simm.s32 $0x1BFF;
	s21 =	sshll.u32 s5, $0x1;
	s3 =	sadd.s32 s20, s19  }
0x9c: {  	s22 =	simm.s32 $0x0;
	s4 =	sshll.u32 s4, $0x1;
	s5 =	sadd.s32 s21, s3  }
0x9d: {  	[timem:s22], [sflag:s6] =	dma.local [hbm:s5], s4  }
0x9e: {  	_ =	swait.ge [sflag:s6], s4  }
0x9f: {  	s4 =	ssub.s32 $0x0, s4;
	[sflag:s6] =	ssyncset.done $0x0  }
0xa0: {  	[sflag:s6] =	ssyncadd.s32 s4;
	_ =	sdelay $0x1  }
0xa1: {  	s23 =	simm.s32 $0x1B8B  }
0xa2: {  	_ =	swait.ge [sflag:s23], $0x1  }
0xa3: {  	[sflag:s23] =	ssyncset.done $0x0  }
0xa4: {  	[sflag:s23] =	ssyncadd.s32 $0xFFFFFFFF  }
0xa5: {  	s4 =	sld [smem:$0x0]  }
0xa6: {  	s5 =	sand.u32 $0xFFFFFFFE, s1  }
0xa7: {  	p0 =	sne.s32 s1, s5  }
0xa8: {  	s5 =	sshll.u32 @p0 s5, $0xE  }
0xa9: {  	s5 =	sadd.s32 @p0 $0x11B8D, s5;
	s6 =	sshll.u32 @p0 s4, $0x11  }
0xaa: {  	s5 =	sor.u32 @p0 s6, s5  }
0xab: {  	[sflag:s5] =	ssyncadd.remote.s32 @p0 $0x1;
	_ =	sdelay $0x1  }
0xac: {  	s5 =	simm.s32 @p0 $0x1B8D  }
0xad: {  	_ =	swait.eq @p0 [sflag:s5], $0x1  }
0xae: {  	[sflag:s5] =	ssyncadd.s32 @p0 $0xFFFFFFFF  }
0xaf: {  	s6 =	sshll.u32 @!p0 s1, $0xE  }
0xb0: {  	s6 =	sor.u32 @!p0 $0x4000, s6;
	s5 =	simm.s32 @!p0 $0x1B8D  }
0xb1: {  	s4 =	sshll.u32 @!p0 s4, $0x11;
	s6 =	sadd.s32 @!p0 $0x11B8D, s6;
	_ =	swait.eq @!p0 [sflag:s5], $0x1  }
0xb2: {  	s4 =	sor.u32 @!p0 s4, s6;
	[sflag:s5] =	ssyncadd.s32 @!p0 $0xFFFFFFFF  }
0xb3: {  	s25 =	simm.s32 $0x1B8E;
	s24 =	sld [smem:$0x3FFE];
	[sflag:s4] =	ssyncadd.remote.s32 @!p0 $0x1  }
0xb4: {  	s26 =	simm.s32 $execute0_lowered;
	[smem:$0x3FD2] =	sst s25  }
0xb5: {  	s5 =	sshll.u32 s26, $0x1;
	_ =	strace $0x8000004F;
	[dreg:$0x1] =	wrdreg $0xFFFFFFFF  }
0xb6: {  	s28 =	simm.s32 $_size_execute0_lowered;
	s3 =	sadd.s32 s3, s5;
	[dreg:$0x0] =	wrdreg $0x0  }
0xb7: {  	s5 =	sshll.u32 s28, $0x1;
	[dreg:$0x2] =	wrdreg s3  }
0xb8: {  	[dreg:$0x3] =	wrdreg s5  }
0xb9: {  	[dreg:$0x4] =	wrdreg $0xC0  }
0xba: {  	_ =	task [dreg:s22], $0x5FFFF  }
0xbb: {  	[dreg:$0x1] =	wrdreg $0xFFFFFFFF  }
0xbc: {  	[dreg:$0x0] =	wrdreg $0x60  }
0xbd: {  	[dreg:$0x2] =	wrdreg s24  }
0xbe: {  	[dreg:$0x3] =	wrdreg $0xA1280  }
0xbf: {  	[dreg:$0x4] =	wrdreg $0x9  }
0xc0: {  	_ =	task.clear_ibuf [dreg:s22], $0x5FFFF;
	_ =	strace $0x9000004F  }
0xc1: {  	s29 =	simm.s32 $0x9;
	_ =	strace $0x80000051  }
0xc2: {  	_ =	swait.ge [sflag:s29], $0x1  }
0xc3: {  	[sflag:s29] =	ssyncadd.s32 $0xFFFFFFFF  }
0xc4: {  	_ =	strace $0x90000051  }
0xc5: {  	_ =	sfence  }
0xc6: {  	s30 =	sld [smem:$0x0];
	_ =	sdelay $0x2  }
0xc7: {  	s31 =	sshll.u32 s1, $0xD;
	s1 =	sshrl.u32 s1, $0x2  }
0xc8: {  	s4 =	sand.u32 $0x4000, s31;
	s1 =	sadd.s32 s1, s30  }
0xc9: {  	s0 =	sor.u32 s4, s0;
	s1 =	sshll.u32 s1, $0x11  }
0xca: {  	s0 =	sor.u32 s1, s0  }
0xcb: {  	s0 =	sadd.s32 $0x8F2B, s0  }
0xcc: {  	[sflag:s0] =	ssyncadd.remote.s32 $0x1  }
0xcd: {  	_ =	sfence.sel $0xFFFF  }
0xce: {  	[dreg:$0x0] =	wrdreg $0xFFFFFFFF;
	(pc) =	sbr.abs _section_cstart, $3  }
0xcf: {  	[dreg:$0x1] =	wrdreg $0xFFFFFFFF  }
0xd0: {  	_ =	task.clear_ibuf [dreg:s22], $0x2FFFF;
	_ =	strace $0x9FFFFFFF  }
0xd1: {  	(tm) =	ssettm $0x7FFFFFFF  }
tec
execute0_lowered:
.L_overlay_start_1:
0x0: {  	(tag) =	ssettag $0x1  }
0x1: {  	s0 =	srdreg.scid  }
0x2: {  	s4 =	stileid.u32;
	s3 =	rddreg [dreg:$0x0]  }
0x3: {  	s1 =	rddreg [dreg:$0x1];
	s5 =	sand.u32 $0x1, s0;
	s29 =	sshll.u32 s4, $0x1  }
0x4: {  	s6 =	sor.u32 s5, s29;
	s8 =	smul.u32 $0x9C40, s5;
	s5 =	ssub.s32 $0x2, s5  }
0x5: {  	s2 =	simm.s32 $0x0;
	s0 =	rddreg [dreg:$0x2];
	s30 =	sshrl.u32 s5, $0x1  }
0x6: {  	p1 =	por $0x0, $0x0;
	[smem:$0x7FF] =	sst s2;
	s5 =	ssub.s32 s5, s30  }
0x7: {  	s9 =	sadd.s32 $0x77800, s3;
	s10 =	sadd.s32 $0xCAA00, s3;
	s5 =	smax.u32 s5, $0x1  }
0x8: {  	p0 =	sne.s32 s4, $0x0;
	s7 =	smul.u32 $0x2710, s6;
	s15 =	sadd.s32 $0xFFFFFFFF, s5  }
0x9: {  	_ =	strace $0x80000050;
	s6 =	smul.u32 $0x9D0, s6;
	p2 =	sne.s32 s15, $0x0  }
.Ltmp0:
0xa: {  	s4 =	sshrl.u32 @!p0 s1, $0x3;
	s7 =	sadd.s32 s7, s3;
	(pc) =	sbr.rel @!p2 .LBB2_3-.Ltmp0, $4  }
0xb: {  	s3 =	sadd.s32 s8, s3;
	s31 =	sadd.s32 $0x4E8, s6;
	s6 =	sshrl.u32 s6, $0x3  }
0xc: {  	s3 =	sadd.s32 $0xE8200, s3;
	s8 =	sshrl.u32 s31, $0x3;
	s12 =	sadd.s32 s9, s6  }
0xd: {  	s11 =	sadd.s32 $0x7A000, s7;
	s6 =	sadd.s32 $0x7B388, s7;
	s5 =	simm.s32 $0x1  }
0xe: {  	s7 =	simm.s32 $0x4E8;
	s8 =	sadd.s32 s9, s8;
	s9 =	simm.s32 $0x4E2  }
0xf: {  	s14 =	simm.s32 @!p0 $0x1C01;
	s13 =	simm.s32 @!p0 $0x1  }
0x10: {  	[spmem:s4], [sflag:s14] =	dma.local @!p0 [hbm:s10], $0x9C40  }
0x11: {  	_ =	swait.ge @!p0 [sflag:s13], $0x9C40  }
0x12: {  	[sflag:s13] =	ssyncset.done @!p0 $0x0  }
0x13: {  	[sflag:s13] =	ssyncadd.s32 @!p0 $0xFFFF63C0  }
0x14: {  	[bflag:$0x0] =	sbarrier.arrive $0xFFFF  }
0x15: {  	[tilespmem:s2], [sflag:$0x1] =	stream.linear.gather [hbm4b:s12+s2], $0x4E8, $0x38;
	[tilespmem:$0xEF48] =	vst v63  }
0x16: {  	_ =	swait.ge [sflag:s5], $0x4E8  }
0x17: {  	[sflag:s5] =	ssyncset.done $0x0  }
0x18: {  	[sflag:s5] =	ssyncadd.s32 $0xFFFFFB18  }
0x19: {  	[tilespmem:s7], [sflag:$0x1] =	stream.linear.gather [hbm4b:s11+s2], $0x9C40, $0x38;
	[tilespmem:$0xEF48] =	vst v63  }
0x1a: {  	_ =	swait.ge [sflag:s5], $0x9C40  }
0x1b: {  	[sflag:s5] =	ssyncset.done $0x0  }
0x1c: {  	[sflag:s5] =	ssyncadd.s32 $0xFFFF63C0  }
0x1d: {  	[spmem:s1] =	stream.indirect.scatter.add.f32 [tilespmem:s7], [sflag:$0x1], $0x20, s2, s9, $0xb8;
	[tilespmem:$0xEF48] =	vst v63  }
0x1e: {  	_ =	swait.ge [sflag:s5], $0x9C40  }
0x1f: {  	[sflag:s5] =	ssyncset.done $0x0  }
0x20: {  	[sflag:s5] =	ssyncadd.s32 $0xFFFF63C0  }
0x21: {  	[tilespmem:s2], [sflag:$0x1] =	stream.linear.gather [hbm4b:s8+s2], $0x4E8, $0x38;
	[tilespmem:$0xEF48] =	vst v63  }
0x22: {  	_ =	swait.ge [sflag:s5], $0x4E8  }
0x23: {  	[sflag:s5] =	ssyncset.done $0x0  }
0x24: {  	[sflag:s5] =	ssyncadd.s32 $0xFFFFFB18  }
0x25: {  	[tilespmem:s7], [sflag:$0x1] =	stream.linear.gather [hbm4b:s6+s2], $0x9C40, $0x38;
	[tilespmem:$0xEF48] =	vst v63  }
0x26: {  	_ =	swait.ge [sflag:s5], $0x9C40  }
0x27: {  	[sflag:s5] =	ssyncset.done $0x0  }
0x28: {  	[sflag:s5] =	ssyncadd.s32 $0xFFFF63C0  }
0x29: {  	[spmem:s1] =	stream.indirect.scatter.add.f32 [tilespmem:s7], [sflag:$0x1], $0x20, s2, s9, $0xb8;
	[tilespmem:$0xEF48] =	vst v63  }
0x2a: {  	s15 =	sadd.s32 $0xFFFFFFFF, s15;
	_ =	swait.ge [sflag:s5], $0x9C40  }
0x2b: {  	p2 =	sne.s32 s15, $0x0;
	[sflag:s5] =	ssyncset.done $0x0  }
.Ltmp1:
0x2c: {  	[sflag:s5] =	ssyncadd.s32 $0xFFFF63C0;
	(pc) =	sbr.rel @!p2 .LBB2_3-.Ltmp1, $4  }
0x2d: {  	[bflag:$0x0] =	sbarrier.arrive $0xFFFF  }
0x2e: {  	[hbm:s3], [sflag:s14] =	dma.local @!p0 [spmem:s4], $0x9C40  }
0x2f: {  	_ =	swait.ge @!p0 [sflag:s13], $0x9C40  }
0x30: {  	p1 =	por $0x1, $0x1;
	[sflag:s13] =	ssyncset.done @!p0 $0x0  }
.LBB2_2:
0x31: {  	[sflag:s13] =	ssyncadd.s32 @!p0 $0xFFFF63C0  }
0x32: {  	[spmem:s4], [sflag:s14] =	dma.local @!p0 [hbm:s10], $0x9C40  }
0x33: {  	s15 =	sadd.s32 $0xFFFFFFFF, s15;
	_ =	swait.ge @!p0 [sflag:s13], $0x9C40  }
0x34: {  	p2 =	sne.s32 s15, $0x0;
	[sflag:s13] =	ssyncset.done @!p0 $0x0  }
0x35: {  	[sflag:s13] =	ssyncadd.s32 @!p0 $0xFFFF63C0  }
0x36: {  	[bflag:$0x0] =	sbarrier.arrive $0xFFFF  }
0x37: {  	[tilespmem:s2], [sflag:$0x1] =	stream.linear.gather [hbm4b:s12+s2], $0x4E8, $0x38;
	[tilespmem:$0xEF48] =	vst v63  }
0x38: {  	_ =	swait.ge [sflag:s5], $0x4E8  }
0x39: {  	[sflag:s5] =	ssyncset.done $0x0  }
0x3a: {  	[sflag:s5] =	ssyncadd.s32 $0xFFFFFB18  }
0x3b: {  	[tilespmem:s7], [sflag:$0x1] =	stream.linear.gather [hbm4b:s11+s2], $0x9C40, $0x38;
	[tilespmem:$0xEF48] =	vst v63  }
0x3c: {  	_ =	swait.ge [sflag:s5], $0x9C40  }
0x3d: {  	[sflag:s5] =	ssyncset.done $0x0  }
0x3e: {  	[sflag:s5] =	ssyncadd.s32 $0xFFFF63C0  }
0x3f: {  	[spmem:s1] =	stream.indirect.scatter.add.f32 [tilespmem:s7], [sflag:$0x1], $0x20, s2, s9, $0xb8;
	[tilespmem:$0xEF48] =	vst v63  }
0x40: {  	_ =	swait.ge [sflag:s5], $0x9C40  }
0x41: {  	[sflag:s5] =	ssyncset.done $0x0  }
0x42: {  	[sflag:s5] =	ssyncadd.s32 $0xFFFF63C0  }
0x43: {  	[tilespmem:s2], [sflag:$0x1] =	stream.linear.gather [hbm4b:s8+s2], $0x4E8, $0x38;
	[tilespmem:$0xEF48] =	vst v63  }
0x44: {  	_ =	swait.ge [sflag:s5], $0x4E8  }
0x45: {  	[sflag:s5] =	ssyncset.done $0x0  }
0x46: {  	[sflag:s5] =	ssyncadd.s32 $0xFFFFFB18  }
0x47: {  	[tilespmem:s7], [sflag:$0x1] =	stream.linear.gather [hbm4b:s6+s2], $0x9C40, $0x38;
	[tilespmem:$0xEF48] =	vst v63  }
0x48: {  	_ =	swait.ge [sflag:s5], $0x9C40  }
0x49: {  	[sflag:s5] =	ssyncset.done $0x0  }
0x4a: {  	[sflag:s5] =	ssyncadd.s32 $0xFFFF63C0  }
0x4b: {  	[spmem:s1] =	stream.indirect.scatter.add.f32 [tilespmem:s7], [sflag:$0x1], $0x20, s2, s9, $0xb8;
	[tilespmem:$0xEF48] =	vst v63  }
0x4c: {  	_ =	swait.ge [sflag:s5], $0x9C40  }
0x4d: {  	[sflag:s5] =	ssyncset.done $0x0  }
.Ltmp2:
0x4e: {  	[sflag:s5] =	ssyncadd.s32 $0xFFFF63C0;
	(pc) =	sbr.rel @p2 .LBB2_2-.Ltmp2, $4  }
0x4f: {  	[bflag:$0x0] =	sbarrier.arrive $0xFFFF  }
0x50: {  	[hbm:s3], [sflag:s14] =	dma.local @!p0 [spmem:s4], $0x9C40  }
0x51: {  	_ =	swait.ge @!p0 [sflag:s13], $0x9C40  }
0x52: {  	[sflag:s13] =	ssyncset.done @!p0 $0x0  }
.LBB2_3:
0x53: {  	p1 =	por p0, !p1  }
0x54: {  	s14 =	simm.s32 @!p0 $0x1C01;
	s15 =	simm.s32 @!p0 $0x1;
	[sflag:s13] =	ssyncadd.s32 @!p1 $0xFFFF63C0  }
0x55: {  	[spmem:s4], [sflag:s14] =	dma.local @!p0 [hbm:s10], $0x9C40  }
0x56: {  	_ =	swait.ge @!p0 [sflag:s15], $0x9C40  }
0x57: {  	[sflag:s15] =	ssyncset.done @!p0 $0x0  }
0x58: {  	[sflag:s15] =	ssyncadd.s32 @!p0 $0xFFFF63C0  }
0x59: {  	[bflag:$0x0] =	sbarrier.arrive $0xFFFF  }
0x5a: {  	[tilespmem:s2], [sflag:$0x1] =	stream.linear.gather [hbm4b:s12+s2], $0x4E8, $0x38;
	[tilespmem:$0xEF48] =	vst v63  }
0x5b: {  	_ =	swait.ge [sflag:s5], $0x4E8  }
0x5c: {  	[sflag:s5] =	ssyncset.done $0x0  }
0x5d: {  	[sflag:s5] =	ssyncadd.s32 $0xFFFFFB18  }
0x5e: {  	[tilespmem:s7], [sflag:$0x1] =	stream.linear.gather [hbm4b:s11+s2], $0x9C40, $0x38;
	[tilespmem:$0xEF48] =	vst v63  }
0x5f: {  	_ =	swait.ge [sflag:s5], $0x9C40  }
0x60: {  	[sflag:s5] =	ssyncset.done $0x0  }
0x61: {  	[sflag:s5] =	ssyncadd.s32 $0xFFFF63C0  }
0x62: {  	[spmem:s1] =	stream.indirect.scatter.add.f32 [tilespmem:s7], [sflag:$0x1], $0x20, s2, s9, $0xb8;
	[tilespmem:$0xEF48] =	vst v63  }
0x63: {  	_ =	swait.ge [sflag:s5], $0x9C40  }
0x64: {  	[sflag:s5] =	ssyncset.done $0x0  }
0x65: {  	[sflag:s5] =	ssyncadd.s32 $0xFFFF63C0  }
0x66: {  	[tilespmem:s2], [sflag:$0x1] =	stream.linear.gather [hbm4b:s8+s2], $0x4E8, $0x38;
	[tilespmem:$0xEF48] =	vst v63  }
0x67: {  	_ =	swait.ge [sflag:s5], $0x4E8  }
0x68: {  	[sflag:s5] =	ssyncset.done $0x0  }
0x69: {  	[sflag:s5] =	ssyncadd.s32 $0xFFFFFB18  }
0x6a: {  	[tilespmem:s7], [sflag:$0x1] =	stream.linear.gather [hbm4b:s6+s2], $0x9C40, $0x38;
	[tilespmem:$0xEF48] =	vst v63  }
0x6b: {  	_ =	swait.ge [sflag:s5], $0x9C40  }
0x6c: {  	[sflag:s5] =	ssyncset.done $0x0  }
0x6d: {  	[sflag:s5] =	ssyncadd.s32 $0xFFFF63C0  }
0x6e: {  	[spmem:s1] =	stream.indirect.scatter.add.f32 [tilespmem:s7], [sflag:$0x1], $0x20, s2, s9, $0xb8;
	[tilespmem:$0xEF48] =	vst v63  }
0x6f: {  	_ =	swait.ge [sflag:s5], $0x9C40  }
0x70: {  	[sflag:s5] =	ssyncset.done $0x0  }
0x71: {  	[sflag:s5] =	ssyncadd.s32 $0xFFFF63C0  }
0x72: {  	[bflag:$0x0] =	sbarrier.arrive $0xFFFF  }
0x73: {  	[hbm:s3], [sflag:s14] =	dma.local @!p0 [spmem:s4], $0x9C40  }
0x74: {  	_ =	swait.ge @!p0 [sflag:s15], $0x9C40  }
0x75: {  	[sflag:s15] =	ssyncset.done @!p0 $0x0  }
0x76: {  	[sflag:s15] =	ssyncadd.s32 @!p0 $0xFFFF63C0  }
0x77: {  	_ =	sfence.sel $0x180000  }
0x78: {  	[bflag:$0x0] =	sbarrier.arrive $0xFFFF  }
0x79: {  	_ =	strace $0x90000050  }
0x7a: {  	s0 =	sadd.s32 @!p0 $0x100000, s0;
	[bflag:$0x2] =	sbarrier.arrive $0xFFFF  }
0x7b: {  	[sflag:s0] =	ssyncadd.tile.s32 @!p0 $0x1;
	_ =	shalt  }
.Lfunc_end2:
_tile_overlayer_lowered:
.L_overlay_start_2:
0x7c: {  	(tag) =	ssettag $0x2  }
0x7d: {  	s0 =	rddreg [dreg:$0x0];
	s2 =	stileid.u32  }
0x7e: {  	s1 =	rddreg [dreg:$0x1];
	p0 =	sne.s32 s2, $0x0  }
0x7f: {  	s3 =	rddreg [dreg:$0x2];
	[bflag:$0x3] =	sbarrier.arrive $0xFFFF;
	s2 =	simm.s32 @!p0 $0x1C01  }
0x80: {  	[timem:s3], [sflag:s2] =	dma.local @!p0 [hbm:s0], s1  }
0x81: {  	s0 =	simm.s32 @!p0 $0x1  }
0x82: {  	_ =	swait.ge @!p0 [sflag:s0], s1  }
0x83: {  	s1 =	ssub.s32 @!p0 $0x0, s1;
	[sflag:s0] =	ssyncset.done @!p0 $0x0  }
0x84: {  	[sflag:s0] =	ssyncadd.s32 @!p0 s1  }
0x85: {  	[bflag:$0x3] =	sbarrier.arrive $0xFFFF  }
0x86: {  	_ =	shalt  }

// kernel: kernel.18.cloned.1.call-start
scs
__scs_entry_jumppad:
0x0: {  	(pc) =	sbr.rel $0x88, $3  }
0x1: {  	(tag) =	ssettag $0x0;
	lr =	simm.s32 $0x1  }
0x2: {  	[smem:$0x3F98] =	sst lr;
	_ =	strace $0xD0000000  }
0x3: {  	_ = 	snop  }
0x4: {  	_ = 	snop  }
0x5: {  	_ = 	snop  }
0x6: {  	_ = 	snop  }
0x7: {  	_ = 	snop  }
__scs_overlays_trampoline_lowered:
0x8: {  	[smem:$0x3FA7] =	sst s0  }
0x9: {  	[smem:$0x3FA8] =	sst s1  }
0xa: {  	[smem:$0x3FA9] =	sst s2  }
0xb: {  	[smem:$0x3FAA] =	sst s3  }
0xc: {  	[smem:$0x3FAB] =	sst s4  }
0xd: {  	[smem:$0x3FAC] =	sst s5  }
0xe: {  	[smem:$0x3FAD] =	sst s6  }
0xf: {  	[smem:$0x3FAE] =	sst s7  }
0x10: {  	[smem:$0x3FAF] =	sst s8  }
0x11: {  	[smem:$0x3FB0] =	sst s9;
	s0 =	simm.s32 @!p0 $0x0  }
0x12: {  	s1 =	sld [smem:$0x3F96];
	s0 =	simm.s32 @p0 $0x1  }
0x13: {  	[smem:$0x3FB1] =	sst s0;
	s0 =	simm.s32 @!p1 $0x0  }
0x14: {  	s2 =	sld [smem:$0x3F95];
	s0 =	simm.s32 @p1 $0x1  }
0x15: {  	[smem:$0x3FB2] =	sst s0;
	s0 =	simm.s32 @!p2 $0x0  }
0x16: {  	s3 =	sld [smem:$0x3FDB];
	s0 =	simm.s32 @p2 $0x1  }
0x17: {  	s4 =	simm.s32 $0x1BF5;
	[smem:$0x3FB4] =	sst s0  }
0x18: {  	s0 =	sld [smem:$0x3F97];
	_ =	swait.ge [sflag:s4], $0x0  }
0x19: {  	s7 =	sld [smem:$0x3F98]  }
0x1a: {  	s8 =	sadd.s32 $0xFFFFE003, lr  }
0x1b: {  	s9 =	sadd.s32 $0xFFFFFEF7, lr;
	s5 =	simm.s32 $0xFFFFFFFF;
	p2 =	slt.u32 s8, $0xFFFFF086  }
0x1c: {  	p1 =	slt.u32 s9, $0xF7A;
	s5 =	simm.s32 @!p2 $0x0  }
0x1d: {  	s5 =	simm.s32 @p1 $0x1;
	p0 =	seq.s32 s7, s2  }
0x1e: {  	s7 =	smul.u32 @!p0 $0xF7A, s2;
	p2 =	seq.s32 @!p0 s5, $0x0  }
0x1f: {  	s9 =	smul.u32 $0xF7A, s1;
	s8 =	simm.s32 @!p0 $0x1BF5;
	p2 =	por !p2, p0  }
0x20: {  	[sflag:s8] =	ssyncset.s32 @!p0 $0xFFFFF086;
	s6 =	sadd.s32 @!p0 s3, s7;
	s7 =	simm.s32 @!p0 $0x108  }
0x21: {  	s3 =	sadd.s32 s3, s9;
	s6 =	sadd.s32 @!p0 $0x88, s6;
	s7 =	simm.s32 @p2 $0x1082  }
0x22: {  	[simem:s7], [sflag:s8] =	dma.local @!p0 [hbm:s6], $0xF7A  }
0x23: {  	s9 =	sor.u32 $0xD0000000, s2;
	s6 =	simm.s32 $0x108;
	_ =	swait.ge @!p0 [sflag:s8], $0x0  }
0x24: {  	s3 =	sadd.s32 $0x88, s3;
	s6 =	simm.s32 @!p1 $0x1082;
	[sflag:s4] =	ssyncset.s32 $0xFFFFF086  }
0x25: {  	[simem:s6], [sflag:s4] =	dma.local [hbm:s3], $0xF7A  }
0x26: {  	[smem:$0x3F98] =	sst s1;
	(tag) =	ssettag s2;
	_ =	strace s9  }
0x27: {  	s1 =	sld [smem:$0x3FA8]  }
0x28: {  	s2 =	sld [smem:$0x3FA9]  }
0x29: {  	s4 =	sld [smem:$0x3FAB]  }
0x2a: {  	p0 =	seq.s32 s5, $0x0;
	s5 =	sld [smem:$0x3FAC]  }
0x2b: {  	s6 =	sld [smem:$0x3FAD]  }
0x2c: {  	s7 =	sld [smem:$0x3FAE]  }
0x2d: {  	s3 =	simm.s32 $0x108;
	s8 =	sld [smem:$0x3FAF]  }
0x2e: {  	s3 =	simm.s32 @!p0 $0x1082;
	s9 =	sld [smem:$0x3FB0]  }
0x2f: {  	lr =	sadd.s32 s0, s3;
	s0 =	sld [smem:$0x3FA7]  }
0x30: {  	s3 =	sld [smem:$0x3FAA]  }
0x31: {  	[smem:$0x3FB3] =	sst s10  }
0x32: {  	s10 =	sld [smem:$0x3FB1];
	_ =	sdelay $0x3  }
0x33: {  	p0 =	seq.s32 s10, $0x1;
	s10 =	sld [smem:$0x3FB3];
	_ =	sdelay $0x3  }
0x34: {  	[smem:$0x3FB3] =	sst s10  }
0x35: {  	s10 =	sld [smem:$0x3FB2];
	_ =	sdelay $0x3  }
0x36: {  	p1 =	seq.s32 s10, $0x1;
	s10 =	sld [smem:$0x3FB3];
	_ =	sdelay $0x3  }
0x37: {  	[smem:$0x3FB3] =	sst s10  }
0x38: {  	s10 =	sld [smem:$0x3FB4]  }
0x39: {  	_ = 	snop;
	(pc) =	sbr.ind lr, $3  }
0x3a: {  	_ = 	snop  }
0x3b: {  	_ = 	snop  }
0x3c: {  	p2 =	seq.s32 s10, $0x1;
	s10 =	sld [smem:$0x3FB3]  }
0x3d: {  	_ =	shalt  }
0x3e: {  	_ =	shalt  }
0x3f: {  	_ =	shalt  }
0x40: {  	_ =	shalt  }
0x41: {  	_ =	shalt  }
0x42: {  	_ =	shalt  }
0x43: {  	_ =	shalt  }
0x44: {  	_ =	shalt  }
0x45: {  	_ =	shalt  }
0x46: {  	_ =	shalt  }
0x47: {  	_ =	shalt  }
0x48: {  	_ =	shalt  }
0x49: {  	_ =	shalt  }
0x4a: {  	_ =	shalt  }
0x4b: {  	_ =	shalt  }
0x4c: {  	_ =	shalt  }
0x4d: {  	_ =	shalt  }
0x4e: {  	_ =	shalt  }
0x4f: {  	_ =	shalt  }
0x50: {  	_ =	shalt  }
0x51: {  	_ =	shalt  }
0x52: {  	_ =	shalt  }
0x53: {  	_ =	shalt  }
0x54: {  	_ =	shalt  }
0x55: {  	_ =	shalt  }
0x56: {  	_ =	shalt  }
0x57: {  	_ =	shalt  }
0x58: {  	_ =	shalt  }
0x59: {  	_ =	shalt  }
0x5a: {  	_ =	shalt  }
0x5b: {  	_ =	shalt  }
0x5c: {  	_ =	shalt  }
0x5d: {  	_ =	shalt  }
0x5e: {  	_ =	shalt  }
0x5f: {  	_ =	shalt  }
0x60: {  	_ =	shalt  }
0x61: {  	_ =	shalt  }
0x62: {  	_ =	shalt  }
0x63: {  	_ =	shalt  }
0x64: {  	_ =	shalt  }
0x65: {  	_ =	shalt  }
0x66: {  	_ =	shalt  }
0x67: {  	_ =	shalt  }
0x68: {  	_ =	shalt  }
0x69: {  	_ =	shalt  }
0x6a: {  	_ =	shalt  }
0x6b: {  	_ =	shalt  }
0x6c: {  	_ =	shalt  }
0x6d: {  	_ =	shalt  }
0x6e: {  	_ =	shalt  }
0x6f: {  	_ =	shalt  }
0x70: {  	_ =	shalt  }
0x71: {  	_ =	shalt  }
0x72: {  	_ =	shalt  }
0x73: {  	_ =	shalt  }
0x74: {  	_ =	shalt  }
0x75: {  	_ =	shalt  }
0x76: {  	_ =	shalt  }
0x77: {  	_ =	shalt  }
0x78: {  	_ =	shalt  }
0x79: {  	_ =	shalt  }
0x7a: {  	_ =	shalt  }
0x7b: {  	_ =	shalt  }
0x7c: {  	_ =	shalt  }
0x7d: {  	_ =	shalt  }
0x7e: {  	_ =	shalt  }
0x7f: {  	_ =	shalt  }
0x80: {  	_ =	shalt  }
0x81: {  	_ =	shalt  }
0x82: {  	_ =	shalt  }
0x83: {  	_ =	shalt  }
0x84: {  	_ =	shalt  }
0x85: {  	_ =	shalt  }
0x86: {  	_ =	shalt  }
0x87: {  	_ =	shalt  }
.Lfunc_end0:
.L_simem_size_0:
called_computation.3_lowered:
.L_overlay_start_0:
0x88: {  	s2 =	sld [smem:$0x3FD9]  }
0x89: {  	s3 =	sld [smem:$0x3FFE];
	_ =	sdelay $0x1  }
0x8a: {  	s1 =	srdreg.scid  }
0x8b: {  	s0 =	sand.u32 $0x1, s1  }
0x8c: {  	s17 =	sshll.u32 s0, $0xA;
	s2 =	sadd.s32 s3, s2  }
0x8d: {  	s2 =	sadd.s32 s2, s17  }
0x8e: {  	[smem:$0x3FBF] =	sst s2  }
0x8f: {  	_ = 	snop  }
0x90: {  	(tm) =	ssettm $0x1  }
0x91: {  	s18 =	sld [smem:$0x3FFB];
	_ =	sdelay $0x3  }
0x92: {  	_ =	strace s18  }
0x93: {  	s2 =	sld [smem:$0x3FFC];
	_ =	sdelay $0x3  }
0x94: {  	_ =	strace s2  }
0x95: {  	s2 =	sld [smem:$0x3FFD];
	_ =	sdelay $0x3  }
0x96: {  	_ =	strace s2  }
0x97: {  	_ =	strace $0x8FFFFFFF  }
0x98: {  	s19 =	sld [smem:$0x3FDB];
	_ =	sdelay $0x1  }
0x99: {  	s20 =	simm.s32 $_scs_section_size  }
0x9a: {  	s4 =	simm.s32 $_size__tile_overlayer_lowered;
	s5 =	simm.s32 $_tile_overlayer_lowered  }
0x9b: {  	s6 =	simm.s32 $0x1BFF;
	s21 =	sshll.u32 s5, $0x1;
	s3 =	sadd.s32 s20, s19  }
0x9c: {  	s22 =	simm.s32 $0x0;
	s4 =	sshll.u32 s4, $0x1;
	s5 =	sadd.s32 s21, s3  }
0x9d: {  	[timem:s22], [sflag:s6] =	dma.local [hbm:s5], s4  }
0x9e: {  	_ =	swait.ge [sflag:s6], s4  }
0x9f: {  	s4 =	ssub.s32 $0x0, s4;
	[sflag:s6] =	ssyncset.done $0x0  }
0xa0: {  	[sflag:s6] =	ssyncadd.s32 s4;
	_ =	sdelay $0x1  }
0xa1: {  	s23 =	simm.s32 $0x1B8B  }
0xa2: {  	_ =	swait.ge [sflag:s23], $0x1  }
0xa3: {  	[sflag:s23] =	ssyncset.done $0x0  }
0xa4: {  	[sflag:s23] =	ssyncadd.s32 $0xFFFFFFFF  }
0xa5: {  	s4 =	sld [smem:$0x0]  }
0xa6: {  	s5 =	sand.u32 $0xFFFFFFFE, s1  }
0xa7: {  	p0 =	sne.s32 s1, s5  }
0xa8: {  	s5 =	sshll.u32 @p0 s5, $0xE  }
0xa9: {  	s5 =	sadd.s32 @p0 $0x11B8D, s5;
	s6 =	sshll.u32 @p0 s4, $0x11  }
0xaa: {  	s5 =	sor.u32 @p0 s6, s5  }
0xab: {  	[sflag:s5] =	ssyncadd.remote.s32 @p0 $0x1;
	_ =	sdelay $0x1  }
0xac: {  	s5 =	simm.s32 @p0 $0x1B8D  }
0xad: {  	_ =	swait.eq @p0 [sflag:s5], $0x1  }
0xae: {  	[sflag:s5] =	ssyncadd.s32 @p0 $0xFFFFFFFF  }
0xaf: {  	s6 =	sshll.u32 @!p0 s1, $0xE  }
0xb0: {  	s6 =	sor.u32 @!p0 $0x4000, s6;
	s5 =	simm.s32 @!p0 $0x1B8D  }
0xb1: {  	s4 =	sshll.u32 @!p0 s4, $0x11;
	s6 =	sadd.s32 @!p0 $0x11B8D, s6;
	_ =	swait.eq @!p0 [sflag:s5], $0x1  }
0xb2: {  	s4 =	sor.u32 @!p0 s4, s6;
	[sflag:s5] =	ssyncadd.s32 @!p0 $0xFFFFFFFF  }
0xb3: {  	s25 =	simm.s32 $0x1B8E;
	s24 =	sld [smem:$0x3FFE];
	[sflag:s4] =	ssyncadd.remote.s32 @!p0 $0x1  }
0xb4: {  	s26 =	simm.s32 $execute0_lowered;
	[smem:$0x3FD2] =	sst s25  }
0xb5: {  	s5 =	sshll.u32 s26, $0x1;
	_ =	strace $0x8000004C;
	[dreg:$0x1] =	wrdreg $0xFFFFFFFF  }
0xb6: {  	s28 =	simm.s32 $_size_execute0_lowered;
	s3 =	sadd.s32 s3, s5;
	[dreg:$0x0] =	wrdreg $0x0  }
0xb7: {  	s5 =	sshll.u32 s28, $0x1;
	[dreg:$0x2] =	wrdreg s3  }
0xb8: {  	[dreg:$0x3] =	wrdreg s5  }
0xb9: {  	[dreg:$0x4] =	wrdreg $0xC0  }
0xba: {  	_ =	task [dreg:s22], $0x5FFFF  }
0xbb: {  	[dreg:$0x1] =	wrdreg $0xFFFFFFFF  }
0xbc: {  	[dreg:$0x0] =	wrdreg $0x60  }
0xbd: {  	[dreg:$0x2] =	wrdreg s24  }
0xbe: {  	[dreg:$0x3] =	wrdreg $0xA1280  }
0xbf: {  	[dreg:$0x4] =	wrdreg $0xA  }
0xc0: {  	_ =	task.clear_ibuf [dreg:s22], $0x5FFFF;
	_ =	strace $0x9000004C  }
0xc1: {  	s29 =	simm.s32 $0xA;
	_ =	strace $0x8000004E  }
0xc2: {  	_ =	swait.ge [sflag:s29], $0x1  }
0xc3: {  	[sflag:s29] =	ssyncadd.s32 $0xFFFFFFFF  }
0xc4: {  	_ =	strace $0x9000004E  }
0xc5: {  	_ =	sfence  }
0xc6: {  	s30 =	sld [smem:$0x0];
	_ =	sdelay $0x2  }
0xc7: {  	s31 =	sshll.u32 s1, $0xD;
	s1 =	sshrl.u32 s1, $0x2  }
0xc8: {  	s4 =	sand.u32 $0x4000, s31;
	s1 =	sadd.s32 s1, s30  }
0xc9: {  	s0 =	sor.u32 s4, s0;
	s1 =	sshll.u32 s1, $0x11  }
0xca: {  	s0 =	sor.u32 s1, s0  }
0xcb: {  	s0 =	sadd.s32 $0x8F2B, s0  }
0xcc: {  	[sflag:s0] =	ssyncadd.remote.s32 $0x1  }
0xcd: {  	_ =	sfence.sel $0xFFFF  }
0xce: {  	[dreg:$0x0] =	wrdreg $0xFFFFFFFF;
	(pc) =	sbr.abs _section_cstart, $3  }
0xcf: {  	[dreg:$0x1] =	wrdreg $0xFFFFFFFF  }
0xd0: {  	_ =	task.clear_ibuf [dreg:s22], $0x2FFFF;
	_ =	strace $0x9FFFFFFF  }
0xd1: {  	(tm) =	ssettm $0x7FFFFFFF  }
tec
execute0_lowered:
.L_overlay_start_1:
0x0: {  	(tag) =	ssettag $0x1  }
0x1: {  	s0 =	srdreg.scid  }
0x2: {  	s4 =	stileid.u32;
	s3 =	rddreg [dreg:$0x0]  }
0x3: {  	s1 =	rddreg [dreg:$0x1];
	s5 =	sand.u32 $0x1, s0;
	s29 =	sshll.u32 s4, $0x1  }
0x4: {  	s6 =	sor.u32 s5, s29;
	s8 =	smul.u32 $0x9C40, s5;
	s5 =	ssub.s32 $0x2, s5  }
0x5: {  	s2 =	simm.s32 $0x0;
	s0 =	rddreg [dreg:$0x2];
	s30 =	sshrl.u32 s5, $0x1  }
0x6: {  	p1 =	por $0x0, $0x0;
	[smem:$0x7FF] =	sst s2;
	s5 =	ssub.s32 s5, s30  }
0x7: {  	s9 =	sadd.s32 $0x203200, s3;
	s10 =	sadd.s32 $0xCAA00, s3;
	s5 =	smax.u32 s5, $0x1  }
0x8: {  	p0 =	sne.s32 s4, $0x0;
	s7 =	smul.u32 $0x2710, s6;
	s15 =	sadd.s32 $0xFFFFFFFF, s5  }
0x9: {  	_ =	strace $0x8000004D;
	s6 =	smul.u32 $0x9D0, s6;
	p2 =	sne.s32 s15, $0x0  }
.Ltmp0:
0xa: {  	s4 =	sshrl.u32 @!p0 s1, $0x3;
	s7 =	sadd.s32 s7, s3;
	(pc) =	sbr.rel @!p2 .LBB2_3-.Ltmp0, $4  }
0xb: {  	s3 =	sadd.s32 s8, s3;
	s31 =	sadd.s32 $0x4E8, s6;
	s6 =	sshrl.u32 s6, $0x3  }
0xc: {  	s3 =	sadd.s32 $0xD4800, s3;
	s8 =	sshrl.u32 s31, $0x3;
	s12 =	sadd.s32 s9, s6  }
0xd: {  	s11 =	sadd.s32 $0x29600, s7;
	s6 =	sadd.s32 $0x2A988, s7;
	s5 =	simm.s32 $0x1  }
0xe: {  	s7 =	simm.s32 $0x4E8;
	s8 =	sadd.s32 s9, s8;
	s9 =	simm.s32 $0x4E2  }
0xf: {  	s14 =	simm.s32 @!p0 $0x1C01;
	s13 =	simm.s32 @!p0 $0x1  }
0x10: {  	[spmem:s4], [sflag:s14] =	dma.local @!p0 [hbm:s10], $0x9C40  }
0x11: {  	_ =	swait.ge @!p0 [sflag:s13], $0x9C40  }
0x12: {  	[sflag:s13] =	ssyncset.done @!p0 $0x0  }
0x13: {  	[sflag:s13] =	ssyncadd.s32 @!p0 $0xFFFF63C0  }
0x14: {  	[bflag:$0x0] =	sbarrier.arrive $0xFFFF  }
0x15: {  	[tilespmem:s2], [sflag:$0x1] =	stream.linear.gather [hbm4b:s12+s2], $0x4E8, $0x38;
	[tilespmem:$0xEF48] =	vst v63  }
0x16: {  	_ =	swait.ge [sflag:s5], $0x4E8  }
0x17: {  	[sflag:s5] =	ssyncset.done $0x0  }
0x18: {  	[sflag:s5] =	ssyncadd.s32 $0xFFFFFB18  }
0x19: {  	[tilespmem:s7], [sflag:$0x1] =	stream.linear.gather [hbm4b:s11+s2], $0x9C40, $0x38;
	[tilespmem:$0xEF48] =	vst v63  }
0x1a: {  	_ =	swait.ge [sflag:s5], $0x9C40  }
0x1b: {  	[sflag:s5] =	ssyncset.done $0x0  }
0x1c: {  	[sflag:s5] =	ssyncadd.s32 $0xFFFF63C0  }
0x1d: {  	[spmem:s1] =	stream.indirect.scatter.add.f32 [tilespmem:s7], [sflag:$0x1], $0x20, s2, s9, $0xb8;
	[tilespmem:$0xEF48] =	vst v63  }
0x1e: {  	_ =	swait.ge [sflag:s5], $0x9C40  }
0x1f: {  	[sflag:s5] =	ssyncset.done $0x0  }
0x20: {  	[sflag:s5] =	ssyncadd.s32 $0xFFFF63C0  }
0x21: {  	[tilespmem:s2], [sflag:$0x1] =	stream.linear.gather [hbm4b:s8+s2], $0x4E8, $0x38;
	[tilespmem:$0xEF48] =	vst v63  }
0x22: {  	_ =	swait.ge [sflag:s5], $0x4E8  }
0x23: {  	[sflag:s5] =	ssyncset.done $0x0  }
0x24: {  	[sflag:s5] =	ssyncadd.s32 $0xFFFFFB18  }
0x25: {  	[tilespmem:s7], [sflag:$0x1] =	stream.linear.gather [hbm4b:s6+s2], $0x9C40, $0x38;
	[tilespmem:$0xEF48] =	vst v63  }
0x26: {  	_ =	swait.ge [sflag:s5], $0x9C40  }
0x27: {  	[sflag:s5] =	ssyncset.done $0x0  }
0x28: {  	[sflag:s5] =	ssyncadd.s32 $0xFFFF63C0  }
0x29: {  	[spmem:s1] =	stream.indirect.scatter.add.f32 [tilespmem:s7], [sflag:$0x1], $0x20, s2, s9, $0xb8;
	[tilespmem:$0xEF48] =	vst v63  }
0x2a: {  	s15 =	sadd.s32 $0xFFFFFFFF, s15;
	_ =	swait.ge [sflag:s5], $0x9C40  }
0x2b: {  	p2 =	sne.s32 s15, $0x0;
	[sflag:s5] =	ssyncset.done $0x0  }
.Ltmp1:
0x2c: {  	[sflag:s5] =	ssyncadd.s32 $0xFFFF63C0;
	(pc) =	sbr.rel @!p2 .LBB2_3-.Ltmp1, $4  }
0x2d: {  	[bflag:$0x0] =	sbarrier.arrive $0xFFFF  }
0x2e: {  	[hbm:s3], [sflag:s14] =	dma.local @!p0 [spmem:s4], $0x9C40  }
0x2f: {  	_ =	swait.ge @!p0 [sflag:s13], $0x9C40  }
0x30: {  	p1 =	por $0x1, $0x1;
	[sflag:s13] =	ssyncset.done @!p0 $0x0  }
.LBB2_2:
0x31: {  	[sflag:s13] =	ssyncadd.s32 @!p0 $0xFFFF63C0  }
0x32: {  	[spmem:s4], [sflag:s14] =	dma.local @!p0 [hbm:s10], $0x9C40  }
0x33: {  	s15 =	sadd.s32 $0xFFFFFFFF, s15;
	_ =	swait.ge @!p0 [sflag:s13], $0x9C40  }
0x34: {  	p2 =	sne.s32 s15, $0x0;
	[sflag:s13] =	ssyncset.done @!p0 $0x0  }
0x35: {  	[sflag:s13] =	ssyncadd.s32 @!p0 $0xFFFF63C0  }
0x36: {  	[bflag:$0x0] =	sbarrier.arrive $0xFFFF  }
0x37: {  	[tilespmem:s2], [sflag:$0x1] =	stream.linear.gather [hbm4b:s12+s2], $0x4E8, $0x38;
	[tilespmem:$0xEF48] =	vst v63  }
0x38: {  	_ =	swait.ge [sflag:s5], $0x4E8  }
0x39: {  	[sflag:s5] =	ssyncset.done $0x0  }
0x3a: {  	[sflag:s5] =	ssyncadd.s32 $0xFFFFFB18  }
0x3b: {  	[tilespmem:s7], [sflag:$0x1] =	stream.linear.gather [hbm4b:s11+s2], $0x9C40, $0x38;
	[tilespmem:$0xEF48] =	vst v63  }
0x3c: {  	_ =	swait.ge [sflag:s5], $0x9C40  }
0x3d: {  	[sflag:s5] =	ssyncset.done $0x0  }
0x3e: {  	[sflag:s5] =	ssyncadd.s32 $0xFFFF63C0  }
0x3f: {  	[spmem:s1] =	stream.indirect.scatter.add.f32 [tilespmem:s7], [sflag:$0x1], $0x20, s2, s9, $0xb8;
	[tilespmem:$0xEF48] =	vst v63  }
0x40: {  	_ =	swait.ge [sflag:s5], $0x9C40  }
0x41: {  	[sflag:s5] =	ssyncset.done $0x0  }
0x42: {  	[sflag:s5] =	ssyncadd.s32 $0xFFFF63C0  }
0x43: {  	[tilespmem:s2], [sflag:$0x1] =	stream.linear.gather [hbm4b:s8+s2], $0x4E8, $0x38;
	[tilespmem:$0xEF48] =	vst v63  }
0x44: {  	_ =	swait.ge [sflag:s5], $0x4E8  }
0x45: {  	[sflag:s5] =	ssyncset.done $0x0  }
0x46: {  	[sflag:s5] =	ssyncadd.s32 $0xFFFFFB18  }
0x47: {  	[tilespmem:s7], [sflag:$0x1] =	stream.linear.gather [hbm4b:s6+s2], $0x9C40, $0x38;
	[tilespmem:$0xEF48] =	vst v63  }
0x48: {  	_ =	swait.ge [sflag:s5], $0x9C40  }
0x49: {  	[sflag:s5] =	ssyncset.done $0x0  }
0x4a: {  	[sflag:s5] =	ssyncadd.s32 $0xFFFF63C0  }
0x4b: {  	[spmem:s1] =	stream.indirect.scatter.add.f32 [tilespmem:s7], [sflag:$0x1], $0x20, s2, s9, $0xb8;
	[tilespmem:$0xEF48] =	vst v63  }
0x4c: {  	_ =	swait.ge [sflag:s5], $0x9C40  }
0x4d: {  	[sflag:s5] =	ssyncset.done $0x0  }
.Ltmp2:
0x4e: {  	[sflag:s5] =	ssyncadd.s32 $0xFFFF63C0;
	(pc) =	sbr.rel @p2 .LBB2_2-.Ltmp2, $4  }
0x4f: {  	[bflag:$0x0] =	sbarrier.arrive $0xFFFF  }
0x50: {  	[hbm:s3], [sflag:s14] =	dma.local @!p0 [spmem:s4], $0x9C40  }
0x51: {  	_ =	swait.ge @!p0 [sflag:s13], $0x9C40  }
0x52: {  	[sflag:s13] =	ssyncset.done @!p0 $0x0  }
.LBB2_3:
0x53: {  	p1 =	por p0, !p1  }
0x54: {  	s14 =	simm.s32 @!p0 $0x1C01;
	s15 =	simm.s32 @!p0 $0x1;
	[sflag:s13] =	ssyncadd.s32 @!p1 $0xFFFF63C0  }
0x55: {  	[spmem:s4], [sflag:s14] =	dma.local @!p0 [hbm:s10], $0x9C40  }
0x56: {  	_ =	swait.ge @!p0 [sflag:s15], $0x9C40  }
0x57: {  	[sflag:s15] =	ssyncset.done @!p0 $0x0  }
0x58: {  	[sflag:s15] =	ssyncadd.s32 @!p0 $0xFFFF63C0  }
0x59: {  	[bflag:$0x0] =	sbarrier.arrive $0xFFFF  }
0x5a: {  	[tilespmem:s2], [sflag:$0x1] =	stream.linear.gather [hbm4b:s12+s2], $0x4E8, $0x38;
	[tilespmem:$0xEF48] =	vst v63  }
0x5b: {  	_ =	swait.ge [sflag:s5], $0x4E8  }
0x5c: {  	[sflag:s5] =	ssyncset.done $0x0  }
0x5d: {  	[sflag:s5] =	ssyncadd.s32 $0xFFFFFB18  }
0x5e: {  	[tilespmem:s7], [sflag:$0x1] =	stream.linear.gather [hbm4b:s11+s2], $0x9C40, $0x38;
	[tilespmem:$0xEF48] =	vst v63  }
0x5f: {  	_ =	swait.ge [sflag:s5], $0x9C40  }
0x60: {  	[sflag:s5] =	ssyncset.done $0x0  }
0x61: {  	[sflag:s5] =	ssyncadd.s32 $0xFFFF63C0  }
0x62: {  	[spmem:s1] =	stream.indirect.scatter.add.f32 [tilespmem:s7], [sflag:$0x1], $0x20, s2, s9, $0xb8;
	[tilespmem:$0xEF48] =	vst v63  }
0x63: {  	_ =	swait.ge [sflag:s5], $0x9C40  }
0x64: {  	[sflag:s5] =	ssyncset.done $0x0  }
0x65: {  	[sflag:s5] =	ssyncadd.s32 $0xFFFF63C0  }
0x66: {  	[tilespmem:s2], [sflag:$0x1] =	stream.linear.gather [hbm4b:s8+s2], $0x4E8, $0x38;
	[tilespmem:$0xEF48] =	vst v63  }
0x67: {  	_ =	swait.ge [sflag:s5], $0x4E8  }
0x68: {  	[sflag:s5] =	ssyncset.done $0x0  }
0x69: {  	[sflag:s5] =	ssyncadd.s32 $0xFFFFFB18  }
0x6a: {  	[tilespmem:s7], [sflag:$0x1] =	stream.linear.gather [hbm4b:s6+s2], $0x9C40, $0x38;
	[tilespmem:$0xEF48] =	vst v63  }
0x6b: {  	_ =	swait.ge [sflag:s5], $0x9C40  }
0x6c: {  	[sflag:s5] =	ssyncset.done $0x0  }
0x6d: {  	[sflag:s5] =	ssyncadd.s32 $0xFFFF63C0  }
0x6e: {  	[spmem:s1] =	stream.indirect.scatter.add.f32 [tilespmem:s7], [sflag:$0x1], $0x20, s2, s9, $0xb8;
	[tilespmem:$0xEF48] =	vst v63  }
0x6f: {  	_ =	swait.ge [sflag:s5], $0x9C40  }
0x70: {  	[sflag:s5] =	ssyncset.done $0x0  }
0x71: {  	[sflag:s5] =	ssyncadd.s32 $0xFFFF63C0  }
0x72: {  	[bflag:$0x0] =	sbarrier.arrive $0xFFFF  }
0x73: {  	[hbm:s3], [sflag:s14] =	dma.local @!p0 [spmem:s4], $0x9C40  }
0x74: {  	_ =	swait.ge @!p0 [sflag:s15], $0x9C40  }
0x75: {  	[sflag:s15] =	ssyncset.done @!p0 $0x0  }
0x76: {  	[sflag:s15] =	ssyncadd.s32 @!p0 $0xFFFF63C0  }
0x77: {  	_ =	sfence.sel $0x180000  }
0x78: {  	[bflag:$0x0] =	sbarrier.arrive $0xFFFF  }
0x79: {  	_ =	strace $0x9000004D  }
0x7a: {  	s0 =	sadd.s32 @!p0 $0x100000, s0;
	[bflag:$0x2] =	sbarrier.arrive $0xFFFF  }
0x7b: {  	[sflag:s0] =	ssyncadd.tile.s32 @!p0 $0x1;
	_ =	shalt  }
.Lfunc_end2:
_tile_overlayer_lowered:
.L_overlay_start_2:
0x7c: {  	(tag) =	ssettag $0x2  }
0x7d: {  	s0 =	rddreg [dreg:$0x0];
	s2 =	stileid.u32  }
0x7e: {  	s1 =	rddreg [dreg:$0x1];
	p0 =	sne.s32 s2, $0x0  }
0x7f: {  	s3 =	rddreg [dreg:$0x2];
	[bflag:$0x3] =	sbarrier.arrive $0xFFFF;
	s2 =	simm.s32 @!p0 $0x1C01  }
0x80: {  	[timem:s3], [sflag:s2] =	dma.local @!p0 [hbm:s0], s1  }
0x81: {  	s0 =	simm.s32 @!p0 $0x1  }
0x82: {  	_ =	swait.ge @!p0 [sflag:s0], s1  }
0x83: {  	s1 =	ssub.s32 @!p0 $0x0, s1;
	[sflag:s0] =	ssyncset.done @!p0 $0x0  }
0x84: {  	[sflag:s0] =	ssyncadd.s32 @!p0 s1  }
0x85: {  	[bflag:$0x3] =	sbarrier.arrive $0xFFFF  }
0x86: {  	_ =	shalt  }

// kernel: kernel.9.cloned.1.call-start
scs
__scs_entry_jumppad:
0x0: {  	(pc) =	sbr.rel $0x88, $3  }
0x1: {  	(tag) =	ssettag $0x0;
	lr =	simm.s32 $0x1  }
0x2: {  	[smem:$0x3F98] =	sst lr;
	_ =	strace $0xD0000000  }
0x3: {  	_ = 	snop  }
0x4: {  	_ = 	snop  }
0x5: {  	_ = 	snop  }
0x6: {  	_ = 	snop  }
0x7: {  	_ = 	snop  }
__scs_overlays_trampoline_lowered:
0x8: {  	[smem:$0x3FA7] =	sst s0  }
0x9: {  	[smem:$0x3FA8] =	sst s1  }
0xa: {  	[smem:$0x3FA9] =	sst s2  }
0xb: {  	[smem:$0x3FAA] =	sst s3  }
0xc: {  	[smem:$0x3FAB] =	sst s4  }
0xd: {  	[smem:$0x3FAC] =	sst s5  }
0xe: {  	[smem:$0x3FAD] =	sst s6  }
0xf: {  	[smem:$0x3FAE] =	sst s7  }
0x10: {  	[smem:$0x3FAF] =	sst s8  }
0x11: {  	[smem:$0x3FB0] =	sst s9;
	s0 =	simm.s32 @!p0 $0x0  }
0x12: {  	s1 =	sld [smem:$0x3F96];
	s0 =	simm.s32 @p0 $0x1  }
0x13: {  	[smem:$0x3FB1] =	sst s0;
	s0 =	simm.s32 @!p1 $0x0  }
0x14: {  	s2 =	sld [smem:$0x3F95];
	s0 =	simm.s32 @p1 $0x1  }
0x15: {  	[smem:$0x3FB2] =	sst s0;
	s0 =	simm.s32 @!p2 $0x0  }
0x16: {  	s3 =	sld [smem:$0x3FDB];
	s0 =	simm.s32 @p2 $0x1  }
0x17: {  	s4 =	simm.s32 $0x1BF5;
	[smem:$0x3FB4] =	sst s0  }
0x18: {  	s0 =	sld [smem:$0x3F97];
	_ =	swait.ge [sflag:s4], $0x0  }
0x19: {  	s7 =	sld [smem:$0x3F98]  }
0x1a: {  	s8 =	sadd.s32 $0xFFFFE003, lr  }
0x1b: {  	s9 =	sadd.s32 $0xFFFFFEF7, lr;
	s5 =	simm.s32 $0xFFFFFFFF;
	p2 =	slt.u32 s8, $0xFFFFF086  }
0x1c: {  	p1 =	slt.u32 s9, $0xF7A;
	s5 =	simm.s32 @!p2 $0x0  }
0x1d: {  	s5 =	simm.s32 @p1 $0x1;
	p0 =	seq.s32 s7, s2  }
0x1e: {  	s7 =	smul.u32 @!p0 $0xF7A, s2;
	p2 =	seq.s32 @!p0 s5, $0x0  }
0x1f: {  	s9 =	smul.u32 $0xF7A, s1;
	s8 =	simm.s32 @!p0 $0x1BF5;
	p2 =	por !p2, p0  }
0x20: {  	[sflag:s8] =	ssyncset.s32 @!p0 $0xFFFFF086;
	s6 =	sadd.s32 @!p0 s3, s7;
	s7 =	simm.s32 @!p0 $0x108  }
0x21: {  	s3 =	sadd.s32 s3, s9;
	s6 =	sadd.s32 @!p0 $0x88, s6;
	s7 =	simm.s32 @p2 $0x1082  }
0x22: {  	[simem:s7], [sflag:s8] =	dma.local @!p0 [hbm:s6], $0xF7A  }
0x23: {  	s9 =	sor.u32 $0xD0000000, s2;
	s6 =	simm.s32 $0x108;
	_ =	swait.ge @!p0 [sflag:s8], $0x0  }
0x24: {  	s3 =	sadd.s32 $0x88, s3;
	s6 =	simm.s32 @!p1 $0x1082;
	[sflag:s4] =	ssyncset.s32 $0xFFFFF086  }
0x25: {  	[simem:s6], [sflag:s4] =	dma.local [hbm:s3], $0xF7A  }
0x26: {  	[smem:$0x3F98] =	sst s1;
	(tag) =	ssettag s2;
	_ =	strace s9  }
0x27: {  	s1 =	sld [smem:$0x3FA8]  }
0x28: {  	s2 =	sld [smem:$0x3FA9]  }
0x29: {  	s4 =	sld [smem:$0x3FAB]  }
0x2a: {  	p0 =	seq.s32 s5, $0x0;
	s5 =	sld [smem:$0x3FAC]  }
0x2b: {  	s6 =	sld [smem:$0x3FAD]  }
0x2c: {  	s7 =	sld [smem:$0x3FAE]  }
0x2d: {  	s3 =	simm.s32 $0x108;
	s8 =	sld [smem:$0x3FAF]  }
0x2e: {  	s3 =	simm.s32 @!p0 $0x1082;
	s9 =	sld [smem:$0x3FB0]  }
0x2f: {  	lr =	sadd.s32 s0, s3;
	s0 =	sld [smem:$0x3FA7]  }
0x30: {  	s3 =	sld [smem:$0x3FAA]  }
0x31: {  	[smem:$0x3FB3] =	sst s10  }
0x32: {  	s10 =	sld [smem:$0x3FB1];
	_ =	sdelay $0x3  }
0x33: {  	p0 =	seq.s32 s10, $0x1;
	s10 =	sld [smem:$0x3FB3];
	_ =	sdelay $0x3  }
0x34: {  	[smem:$0x3FB3] =	sst s10  }
0x35: {  	s10 =	sld [smem:$0x3FB2];
	_ =	sdelay $0x3  }
0x36: {  	p1 =	seq.s32 s10, $0x1;
	s10 =	sld [smem:$0x3FB3];
	_ =	sdelay $0x3  }
0x37: {  	[smem:$0x3FB3] =	sst s10  }
0x38: {  	s10 =	sld [smem:$0x3FB4]  }
0x39: {  	_ = 	snop;
	(pc) =	sbr.ind lr, $3  }
0x3a: {  	_ = 	snop  }
0x3b: {  	_ = 	snop  }
0x3c: {  	p2 =	seq.s32 s10, $0x1;
	s10 =	sld [smem:$0x3FB3]  }
0x3d: {  	_ =	shalt  }
0x3e: {  	_ =	shalt  }
0x3f: {  	_ =	shalt  }
0x40: {  	_ =	shalt  }
0x41: {  	_ =	shalt  }
0x42: {  	_ =	shalt  }
0x43: {  	_ =	shalt  }
0x44: {  	_ =	shalt  }
0x45: {  	_ =	shalt  }
0x46: {  	_ =	shalt  }
0x47: {  	_ =	shalt  }
0x48: {  	_ =	shalt  }
0x49: {  	_ =	shalt  }
0x4a: {  	_ =	shalt  }
0x4b: {  	_ =	shalt  }
0x4c: {  	_ =	shalt  }
0x4d: {  	_ =	shalt  }
0x4e: {  	_ =	shalt  }
0x4f: {  	_ =	shalt  }
0x50: {  	_ =	shalt  }
0x51: {  	_ =	shalt  }
0x52: {  	_ =	shalt  }
0x53: {  	_ =	shalt  }
0x54: {  	_ =	shalt  }
0x55: {  	_ =	shalt  }
0x56: {  	_ =	shalt  }
0x57: {  	_ =	shalt  }
0x58: {  	_ =	shalt  }
0x59: {  	_ =	shalt  }
0x5a: {  	_ =	shalt  }
0x5b: {  	_ =	shalt  }
0x5c: {  	_ =	shalt  }
0x5d: {  	_ =	shalt  }
0x5e: {  	_ =	shalt  }
0x5f: {  	_ =	shalt  }
0x60: {  	_ =	shalt  }
0x61: {  	_ =	shalt  }
0x62: {  	_ =	shalt  }
0x63: {  	_ =	shalt  }
0x64: {  	_ =	shalt  }
0x65: {  	_ =	shalt  }
0x66: {  	_ =	shalt  }
0x67: {  	_ =	shalt  }
0x68: {  	_ =	shalt  }
0x69: {  	_ =	shalt  }
0x6a: {  	_ =	shalt  }
0x6b: {  	_ =	shalt  }
0x6c: {  	_ =	shalt  }
0x6d: {  	_ =	shalt  }
0x6e: {  	_ =	shalt  }
0x6f: {  	_ =	shalt  }
0x70: {  	_ =	shalt  }
0x71: {  	_ =	shalt  }
0x72: {  	_ =	shalt  }
0x73: {  	_ =	shalt  }
0x74: {  	_ =	shalt  }
0x75: {  	_ =	shalt  }
0x76: {  	_ =	shalt  }
0x77: {  	_ =	shalt  }
0x78: {  	_ =	shalt  }
0x79: {  	_ =	shalt  }
0x7a: {  	_ =	shalt  }
0x7b: {  	_ =	shalt  }
0x7c: {  	_ =	shalt  }
0x7d: {  	_ =	shalt  }
0x7e: {  	_ =	shalt  }
0x7f: {  	_ =	shalt  }
0x80: {  	_ =	shalt  }
0x81: {  	_ =	shalt  }
0x82: {  	_ =	shalt  }
0x83: {  	_ =	shalt  }
0x84: {  	_ =	shalt  }
0x85: {  	_ =	shalt  }
0x86: {  	_ =	shalt  }
0x87: {  	_ =	shalt  }
.Lfunc_end0:
.L_simem_size_0:
called_computation_lowered:
.L_overlay_start_0:
0x88: {  	s2 =	sld [smem:$0x3FD9]  }
0x89: {  	s3 =	sld [smem:$0x3FFE];
	_ =	sdelay $0x1  }
0x8a: {  	s1 =	srdreg.scid  }
0x8b: {  	s0 =	sand.u32 $0x1, s1  }
0x8c: {  	s17 =	sshll.u32 s0, $0xA;
	s2 =	sadd.s32 s3, s2  }
0x8d: {  	s2 =	sadd.s32 s2, s17  }
0x8e: {  	[smem:$0x3FBF] =	sst s2  }
0x8f: {  	_ = 	snop  }
0x90: {  	s18 =	sld [smem:$0x3FD0];
	(tm) =	ssettm $0x1  }
0x91: {  	s19 =	sld [smem:$0x3FFB];
	_ =	sdelay $0x3  }
0x92: {  	_ =	strace s19  }
0x93: {  	s2 =	sld [smem:$0x3FFC];
	_ =	sdelay $0x3  }
0x94: {  	_ =	strace s2  }
0x95: {  	s2 =	sld [smem:$0x3FFD];
	_ =	sdelay $0x3  }
0x96: {  	_ =	strace s2  }
0x97: {  	_ =	strace $0x8FFFFFFF  }
0x98: {  	s20 =	sld [smem:$0x3FDB];
	_ =	sdelay $0x1  }
0x99: {  	s4 =	simm.s32 $_scs_section_size  }
0x9a: {  	s5 =	simm.s32 $_size__tile_overlayer_lowered;
	s6 =	simm.s32 $_tile_overlayer_lowered  }
0x9b: {  	s7 =	simm.s32 $0x1BFF;
	s21 =	sshll.u32 s6, $0x1;
	s4 =	sadd.s32 s4, s20  }
0x9c: {  	s22 =	simm.s32 $0x0;
	s5 =	sshll.u32 s5, $0x1;
	s6 =	sadd.s32 s21, s4  }
0x9d: {  	[timem:s22], [sflag:s7] =	dma.local [hbm:s6], s5  }
0x9e: {  	_ =	swait.ge [sflag:s7], s5  }
0x9f: {  	s5 =	ssub.s32 $0x0, s5;
	[sflag:s7] =	ssyncset.done $0x0  }
0xa0: {  	[sflag:s7] =	ssyncadd.s32 s5;
	_ =	sdelay $0x1  }
0xa1: {  	s23 =	simm.s32 $0x1B8B  }
0xa2: {  	_ =	swait.ge [sflag:s23], $0x1  }
0xa3: {  	[sflag:s23] =	ssyncset.done $0x0  }
0xa4: {  	[sflag:s23] =	ssyncadd.s32 $0xFFFFFFFF  }
0xa5: {  	s5 =	sld [smem:$0x0]  }
0xa6: {  	s6 =	sand.u32 $0xFFFFFFFE, s1  }
0xa7: {  	p0 =	sne.s32 s1, s6  }
0xa8: {  	s6 =	sshll.u32 @p0 s6, $0xE  }
0xa9: {  	s6 =	sadd.s32 @p0 $0x11B8D, s6;
	s7 =	sshll.u32 @p0 s5, $0x11  }
0xaa: {  	s6 =	sor.u32 @p0 s7, s6  }
0xab: {  	[sflag:s6] =	ssyncadd.remote.s32 @p0 $0x1;
	_ =	sdelay $0x1  }
0xac: {  	s6 =	simm.s32 @p0 $0x1B8D  }
0xad: {  	_ =	swait.eq @p0 [sflag:s6], $0x1  }
0xae: {  	[sflag:s6] =	ssyncadd.s32 @p0 $0xFFFFFFFF  }
0xaf: {  	s7 =	sshll.u32 @!p0 s1, $0xE  }
0xb0: {  	s7 =	sor.u32 @!p0 $0x4000, s7;
	s6 =	simm.s32 @!p0 $0x1B8D  }
0xb1: {  	s5 =	sshll.u32 @!p0 s5, $0x11;
	s7 =	sadd.s32 @!p0 $0x11B8D, s7;
	_ =	swait.eq @!p0 [sflag:s6], $0x1  }
0xb2: {  	s5 =	sor.u32 @!p0 s5, s7;
	[sflag:s6] =	ssyncadd.s32 @!p0 $0xFFFFFFFF  }
0xb3: {  	s25 =	simm.s32 $0x1B8E;
	s24 =	sld [smem:$0x3FFE];
	[sflag:s5] =	ssyncadd.remote.s32 @!p0 $0x1  }
0xb4: {  	s26 =	simm.s32 $execute0_lowered;
	[smem:$0x3FD2] =	sst s25  }
0xb5: {  	s6 =	sshll.u32 s26, $0x1;
	_ =	strace $0x80000049;
	[dreg:$0x1] =	wrdreg $0xFFFFFFFF  }
0xb6: {  	s28 =	simm.s32 $_size_execute0_lowered;
	s4 =	sadd.s32 s4, s6;
	[dreg:$0x0] =	wrdreg $0x0  }
0xb7: {  	s6 =	sshll.u32 s28, $0x1;
	[dreg:$0x2] =	wrdreg s4  }
0xb8: {  	[dreg:$0x3] =	wrdreg s6  }
0xb9: {  	[dreg:$0x4] =	wrdreg $0xC0  }
0xba: {  	_ =	task [dreg:s22], $0x5FFFF  }
0xbb: {  	[dreg:$0x1] =	wrdreg $0xFFFFFFFF  }
0xbc: {  	[dreg:$0x0] =	wrdreg $0x60  }
0xbd: {  	[dreg:$0x2] =	wrdreg s18  }
0xbe: {  	[dreg:$0x3] =	wrdreg s24  }
0xbf: {  	[dreg:$0x4] =	wrdreg $0x9  }
0xc0: {  	_ =	task.clear_ibuf [dreg:s22], $0x5FFFF;
	_ =	strace $0x90000049  }
0xc1: {  	s29 =	simm.s32 $0x9;
	_ =	strace $0x8000004B  }
0xc2: {  	_ =	swait.ge [sflag:s29], $0x1  }
0xc3: {  	[sflag:s29] =	ssyncadd.s32 $0xFFFFFFFF  }
0xc4: {  	_ =	strace $0x9000004B  }
0xc5: {  	_ =	sfence  }
0xc6: {  	s30 =	sld [smem:$0x0];
	_ =	sdelay $0x2  }
0xc7: {  	s31 =	sshll.u32 s1, $0xD;
	s1 =	sshrl.u32 s1, $0x2  }
0xc8: {  	s4 =	sand.u32 $0x4000, s31;
	s1 =	sadd.s32 s1, s30  }
0xc9: {  	s0 =	sor.u32 s4, s0;
	s1 =	sshll.u32 s1, $0x11  }
0xca: {  	s0 =	sor.u32 s1, s0  }
0xcb: {  	s0 =	sadd.s32 $0x8F2B, s0  }
0xcc: {  	[sflag:s0] =	ssyncadd.remote.s32 $0x1  }
0xcd: {  	_ =	sfence.sel $0xFFFF  }
0xce: {  	[dreg:$0x0] =	wrdreg $0xFFFFFFFF;
	(pc) =	sbr.abs _section_cstart, $3  }
0xcf: {  	[dreg:$0x1] =	wrdreg $0xFFFFFFFF  }
0xd0: {  	_ =	task.clear_ibuf [dreg:s22], $0x2FFFF;
	_ =	strace $0x9FFFFFFF  }
0xd1: {  	(tm) =	ssettm $0x7FFFFFFF  }
tec
execute0_lowered:
.L_overlay_start_1:
0x0: {  	(tag) =	ssettag $0x1  }
0x1: {  	s1 =	srdreg.scid;
	s0 =	stileid.u32  }
0x2: {  	s10 =	sand.u32 $0x1, s1;
	s31 =	sshll.u32 s0, $0x1  }
0x3: {  	s2 =	rddreg [dreg:$0x0];
	s6 =	sor.u32 s10, s31  }
0x4: {  	s9 =	rddreg [dreg:$0x1];
	s4 =	smul.u32 $0x13A, s6  }
0x5: {  	s3 =	simm.s32 $0x0;
	s1 =	rddreg [dreg:$0x2]  }
0x6: {  	[smem:$0x7FF] =	sst s3;
	s4 =	sadd.s32 s4, s9  }
0x7: {  	_ =	strace $0x8000004A;
	s5 =	sadd.s32 $0x7A000, s4;
	s4 =	simm.s32 $0x2  }
0x8: {  	[tilespmem:s3], [sflag:$0x2] =	stream.linear.gather [hbm4b:s5+s3], $0x9D0, $0x38;
	[tilespmem:$0xA610] =	vst v63  }
0x9: {  	_ =	swait.ge [sflag:s4], $0x9D0  }
0xa: {  	s7 =	simm.s32 $0x9D0;
	s8 =	simm.s32 $0x1;
	[sflag:s4] =	ssyncset.done $0x0  }
0xb: {  	s11 =	smul.u32 $0x2710, s6;
	s6 =	simm.s32 $0x4E2;
	[sflag:s4] =	ssyncadd.s32 $0xFFFFF630  }
0xc: {  	[tilespmem:s7], [sflag:$0x1] =	stream.indirect.gather [hbm4b:s2+s6], $0x20, s3, s6, $0xb8;
	[tilespmem:$0xA610] =	vst v63  }
0xd: {  	_ =	swait.ge [sflag:s8], $0x9C40  }
0xe: {  	s11 =	sadd.s32 s11, s9;
	[sflag:s8] =	ssyncset.done $0x0  }
0xf: {  	s12 =	ssub.s32 $0x2, s10;
	s9 =	sadd.s32 $0x7C800, s11;
	[sflag:s8] =	ssyncadd.s32 $0xFFFF63C0  }
0x10: {  	[hbm4b:s9+s3] =	stream.linear.scatter [tilespmem:s7], [sflag:$0x2], $0x9C40, $0x38;
	[tilespmem:$0xA610] =	vst v63  }
0x11: {  	s13 =	sshrl.u32 s12, $0x1;
	_ =	swait.ge [sflag:s4], $0x9C40  }
0x12: {  	s12 =	ssub.s32 s12, s13;
	[sflag:s4] =	ssyncset.done $0x0  }
0x13: {  	s10 =	simm.s32 $0x4E8;
	s12 =	smax.u32 s12, $0x1;
	[sflag:s4] =	ssyncadd.s32 $0xFFFF63C0  }
0x14: {  	[tilespmem:s7], [sflag:$0x1] =	stream.indirect.gather [hbm4b:s2+s6], $0x20, s10, s6, $0xb8;
	[tilespmem:$0xA610] =	vst v63  }
0x15: {  	p0 =	sne.s32 s12, $0x1;
	_ =	swait.ge [sflag:s8], $0x9C40  }
.Ltmp0:
0x16: {  	[sflag:s8] =	ssyncset.done $0x0;
	(pc) =	sbr.rel @!p0 .LBB2_2-.Ltmp0, $4  }
0x17: {  	s11 =	sadd.s32 $0x7DB88, s11;
	[sflag:s8] =	ssyncadd.s32 $0xFFFF63C0  }
0x18: {  	[hbm4b:s11+s3] =	stream.linear.scatter [tilespmem:s7], [sflag:$0x2], $0x9C40, $0x38;
	[tilespmem:$0xA610] =	vst v63  }
0x19: {  	_ =	swait.ge [sflag:s4], $0x9C40  }
0x1a: {  	s12 =	sadd.s32 $0xFFFFFFFF, s12;
	[sflag:s4] =	ssyncset.done $0x0  }
.LBB2_1:
0x1b: {  	p0 =	sne.s32 s12, $0x1;
	s12 =	sadd.s32 $0xFFFFFFFF, s12;
	[sflag:s4] =	ssyncadd.s32 $0xFFFF63C0  }
0x1c: {  	[tilespmem:s3], [sflag:$0x2] =	stream.linear.gather [hbm4b:s5+s3], $0x9D0, $0x38;
	[tilespmem:$0xA610] =	vst v63  }
0x1d: {  	_ =	swait.ge [sflag:s4], $0x9D0  }
0x1e: {  	[sflag:s4] =	ssyncset.done $0x0  }
0x1f: {  	[sflag:s4] =	ssyncadd.s32 $0xFFFFF630  }
0x20: {  	[tilespmem:s7], [sflag:$0x1] =	stream.indirect.gather [hbm4b:s2+s6], $0x20, s3, s6, $0xb8;
	[tilespmem:$0xA610] =	vst v63  }
0x21: {  	_ =	swait.ge [sflag:s8], $0x9C40  }
0x22: {  	[sflag:s8] =	ssyncset.done $0x0  }
0x23: {  	[sflag:s8] =	ssyncadd.s32 $0xFFFF63C0  }
0x24: {  	[hbm4b:s9+s3] =	stream.linear.scatter [tilespmem:s7], [sflag:$0x2], $0x9C40, $0x38;
	[tilespmem:$0xA610] =	vst v63  }
0x25: {  	_ =	swait.ge [sflag:s4], $0x9C40  }
0x26: {  	[sflag:s4] =	ssyncset.done $0x0  }
0x27: {  	[sflag:s4] =	ssyncadd.s32 $0xFFFF63C0  }
0x28: {  	[tilespmem:s7], [sflag:$0x1] =	stream.indirect.gather [hbm4b:s2+s6], $0x20, s10, s6, $0xb8;
	[tilespmem:$0xA610] =	vst v63  }
0x29: {  	_ =	swait.ge [sflag:s8], $0x9C40  }
.Ltmp1:
0x2a: {  	[sflag:s8] =	ssyncset.done $0x0;
	(pc) =	sbr.rel @p0 .LBB2_1-.Ltmp1, $4  }
0x2b: {  	[sflag:s8] =	ssyncadd.s32 $0xFFFF63C0  }
0x2c: {  	[hbm4b:s11+s3] =	stream.linear.scatter [tilespmem:s7], [sflag:$0x2], $0x9C40, $0x38;
	[tilespmem:$0xA610] =	vst v63  }
0x2d: {  	_ =	swait.ge [sflag:s4], $0x9C40  }
0x2e: {  	[sflag:s4] =	ssyncset.done $0x0  }
.LBB2_2:
0x2f: {  	[sflag:s4] =	ssyncadd.s32 $0xFFFF63C0  }
0x30: {  	_ =	sfence.sel $0x180000  }
0x31: {  	[bflag:$0x0] =	sbarrier.arrive $0xFFFF  }
0x32: {  	p0 =	sne.s32 s0, $0x0;
	_ =	strace $0x9000004A  }
0x33: {  	s0 =	sadd.s32 @!p0 $0x100000, s1;
	[bflag:$0x2] =	sbarrier.arrive $0xFFFF  }
0x34: {  	[sflag:s0] =	ssyncadd.tile.s32 @!p0 $0x1;
	_ =	shalt  }
.Lfunc_end2:
_tile_overlayer_lowered:
.L_overlay_start_2:
0x35: {  	(tag) =	ssettag $0x2  }
0x36: {  	s0 =	rddreg [dreg:$0x0];
	s2 =	stileid.u32  }
0x37: {  	s1 =	rddreg [dreg:$0x1];
	p0 =	sne.s32 s2, $0x0  }
0x38: {  	s3 =	rddreg [dreg:$0x2];
	[bflag:$0x3] =	sbarrier.arrive $0xFFFF;
	s2 =	simm.s32 @!p0 $0x1C02  }
0x39: {  	[timem:s3], [sflag:s2] =	dma.local @!p0 [hbm:s0], s1  }
0x3a: {  	s0 =	simm.s32 @!p0 $0x2  }
0x3b: {  	_ =	swait.ge @!p0 [sflag:s0], s1  }
0x3c: {  	s1 =	ssub.s32 @!p0 $0x0, s1;
	[sflag:s0] =	ssyncset.done @!p0 $0x0  }
0x3d: {  	[sflag:s0] =	ssyncadd.s32 @!p0 s1  }
0x3e: {  	[bflag:$0x3] =	sbarrier.arrive $0xFFFF  }
0x3f: {  	_ =	shalt  }

</sc_bundles>
